<compile_context>
chip_gen: v7x
topology: tpu7x:2x2x1
jax: 0.10.2.dev20260603
libtpu: 0.0.44.dev20260713+nightly
codegen_flags: <defaults>
</compile_context>

<pallas_src>
import functools
import math

import jax
import jax.numpy as jnp
from jax import lax
from jax.experimental import pallas as pl
from jax.experimental.pallas import tpu as pltpu
from jax.experimental.pallas import tpu_sc as plsc

_HIDDEN = 768
_PATCH_NUM = 84
_SELECT_NUM = 42
_B = 4
_C = 12
_S = 1024
_H = 32
_PAD_SEL = 64

_HIGH = lax.Precision.HIGHEST


def _bf01(pred):
    return pred.astype(jnp.float32).astype(jnp.bfloat16)


def _compute_body(sn_ref, score_ref, row0_ref, w1_ref, w2_ref,
                  row0_out, patch_out, gidx_out):
    score = score_ref[...]
    ones_v = jnp.full((1024, 1), jnp.bfloat16(1))

    u = lax.bitcast_convert_type(score, jnp.uint32)
    neg = (u >> jnp.uint32(31)) > jnp.uint32(0)
    ukey = jnp.where(neg, ~u, u | jnp.uint32(0x80000000))

    m = jnp.zeros((48, 1), jnp.uint32)
    for i in range(32):
        cand = m | jnp.uint32(0x80000000 >> i)
        cnt = jnp.sum((ukey >= cand).astype(jnp.int32), axis=1, keepdims=True)
        m = jnp.where(cnt >= _PATCH_NUM, cand, m)
    thr_key = m

    gt = ukey > thr_key
    eq = ukey == thr_key
    gtb = _bf01(gt)
    cnt_gt = lax.dot_general(gtb, ones_v, (((1,), (0,)), ((), ())),
                             preferred_element_type=jnp.float32)
    need = (float(_PATCH_NUM) - cnt_gt)

    p_row = lax.broadcasted_iota(jnp.int32, (1024, 1024), 0)
    p_col = lax.broadcasted_iota(jnp.int32, (1024, 1024), 1)
    slt = _bf01(p_row < p_col)

    eq_b = _bf01(eq)
    eq_rank = lax.dot_general(eq_b, slt, (((1,), (0,)), ((), ())),
                              preferred_element_type=jnp.float32)
    mask = gt | (eq & (eq_rank < need))
    mask_b = _bf01(mask)
    new_score = jnp.where(mask, score, score * 0.7)

    g_r = lax.broadcasted_iota(jnp.int32, (4, 48), 0)
    g_c = lax.broadcasted_iota(jnp.int32, (4, 48), 1)
    grp = jnp.where(g_c // _C == g_r, 1.0, 0.0).astype(jnp.float32)
    s1 = lax.dot_general(grp, new_score, (((1,), (0,)), ((), ())),
                         precision=_HIGH)
    grp_b = grp.astype(jnp.bfloat16)
    count = lax.dot_general(grp_b, mask_b, (((1,), (0,)), ((), ())),
                            preferred_element_type=jnp.float32)
    pw = s1 * (1.0 / _C)

    thr = jnp.mean(s1, axis=1, keepdims=True)
    binary = (s1 > thr).astype(jnp.float32)
    m_arr = pw * binary

    lane = lax.broadcasted_iota(jnp.int32, (4, 1024), 1)
    mx = jnp.max(m_arr, axis=1, keepdims=True)
    idx_max = jnp.min(jnp.where(m_arr == mx, lane, 1024), axis=1,
                      keepdims=True)

    ai = (idx_max // _H).astype(jnp.float32)
    aj = (idx_max % _H).astype(jnp.float32)
    pi = (lane // _H).astype(jnp.float32)
    pj = (lane % _H).astype(jnp.float32)
    ri = (pi - ai) * (1.0 / _H)
    rj = (pj - aj) * (1.0 / _H)
    dist = jnp.sqrt(ri * ri + rj * rj)
    ang = (jnp.arctan2(rj, ri) * (1.0 / math.pi) + 1.0) * 0.5

    cw = jnp.sum(pw * dist, axis=1, keepdims=True)
    ca = jnp.sum(pw * ang, axis=1, keepdims=True)
    pw2 = pw * pw
    p_pos = jnp.sum(jnp.where(pw > 0, pw2, 0.0), axis=1, keepdims=True)
    p_neg = jnp.sum(jnp.where(pw < 0, pw2, 0.0), axis=1, keepdims=True)

    w1 = w1_ref[...]
    t = cw * w1[0:1, :] + ca * w1[1:2, :]
    v = t * jnp.where(t > 0, p_pos, p_neg)
    w = lax.dot_general(v, w2_ref[...], (((1,), (0,)), ((), ())),
                        precision=_HIGH)
    pw_anchor = jnp.sum(jnp.where(lane == idx_max, pw, 0.0), axis=1,
                        keepdims=True)
    z = pw_anchor * w
    sinfo = jnp.where(z >= 0, z, 0.2 * z)
    row0_out[...] = row0_ref[...] + sinfo

    d_i = jnp.abs((p_row >> 5) - (p_col >> 5))
    d_j = jnp.abs((p_row & 31) - (p_col & 31))
    sten_b = jnp.where((d_i <= 1) & (d_j <= 1), (2 - d_i) * (2 - d_j),
                       0).astype(jnp.bfloat16)
    count_b = count.astype(jnp.bfloat16)
    csm = lax.dot_general(count_b, sten_b, (((1,), (0,)), ((), ())),
                          preferred_element_type=jnp.float32)
    ci = csm.astype(jnp.int32)
    key2 = ci * 1024 + (1023 - lane)

    keep = jnp.minimum(jnp.int32(_SELECT_NUM), sn_ref[0, 0])
    r_lane = lax.broadcasted_iota(jnp.int32, (1, _PAD_SEL), 1)
    pv = (lane[0:1, :] + 1).astype(jnp.float32)

    for b in range(_B):
        k2 = key2[b:b + 1, :]
        gtm = _bf01(k2 > k2.reshape(1024, 1))
        rank = lax.dot_general(gtm, ones_v, (((1,), (0,)), ((), ())),
                               preferred_element_type=jnp.float32)
        rank = rank.astype(jnp.int32)
        onehot = (rank == r_lane).astype(jnp.float32)
        patch = lax.dot_general(pv, onehot, (((1,), (0,)), ((), ())),
                                precision=_HIGH)
        patch = jnp.where(r_lane < keep, patch.astype(jnp.int32), 0)
        patch_out[b:b + 1, :] = patch
        gidx_out[b:b + 1, :] = patch + b * (_S + 1)


def _gather_body(tab_ref, idx_ref, out_ref, idx_v, rows_v, sem):
    wid = lax.axis_index("s")
    per = (_B * _PAD_SEL) // 16
    base = wid * per
    pltpu.sync_copy(idx_ref.at[pl.ds(base, per)], idx_v)
    pltpu.async_copy(tab_ref.at[idx_v], rows_v, sem).wait()
    pltpu.sync_copy(rows_v, out_ref.at[pl.ds(base, per)])


def kernel(hidden_states, x, contribution, select_num, W1, W2):
    del contribution
    score = x[:, :, 0, 1:].reshape(_B * _C, _S)
    row0 = hidden_states[:, 0, :]
    sn = jnp.asarray(select_num, jnp.int32).reshape(1, 1)
    hid_flat = hidden_states.reshape(_B * (_S + 1), _HIDDEN)

    row0_new, patch_pad, gidx = pl.pallas_call(
        _compute_body,
        in_specs=[pl.BlockSpec(memory_space=pltpu.SMEM)] +
                 [pl.BlockSpec(memory_space=pltpu.VMEM)] * 4,
        out_specs=[pl.BlockSpec(memory_space=pltpu.VMEM)] * 3,
        out_shape=[
            jax.ShapeDtypeStruct((_B, _HIDDEN), jnp.float32),
            jax.ShapeDtypeStruct((_B, _PAD_SEL), jnp.int32),
            jax.ShapeDtypeStruct((_B, _PAD_SEL), jnp.int32),
        ],
    )(sn, score, row0, W1, W2)

    hidden_out = hidden_states.at[:, 0, :].set(row0_new)

    mesh = plsc.VectorSubcoreMesh(core_axis_name="c", subcore_axis_name="s",
                                  num_cores=1)
    gather = functools.partial(
        pl.kernel,
        mesh=mesh,
        out_type=jax.ShapeDtypeStruct((_B * _PAD_SEL, _HIDDEN), jnp.float32),
        scratch_types=[
            pltpu.VMEM(((_B * _PAD_SEL) // 16,), jnp.int32),
            pltpu.VMEM(((_B * _PAD_SEL) // 16, _HIDDEN), jnp.float32),
            pltpu.SemaphoreType.DMA,
        ],
    )(_gather_body)
    flat = gather(hid_flat, gidx.reshape(_B * _PAD_SEL))
    sel = flat.reshape(_B, _PAD_SEL, _HIDDEN)[:, :_SELECT_NUM, :]

    patch_idx = patch_pad[:, :_SELECT_NUM]
    selected = jnp.where((patch_idx == 0)[:, :, None],
                         hidden_out[:, 0, :][:, None, :], sel)
    return hidden_out, selected, patch_idx

# --- scband reference (transcript-rebuilt; emitter-appended) ---
"""Pipeline reference for scband-sptransformer-30210799960554 (READ-ONLY COPY).

The authoritative reference and input builder live on the scoring server;
editing this copy changes nothing except your own understanding.
"""

import jax, jax.numpy as jnp
import numpy as np
import math

HIDDEN = 768
PATCH_NUM = 84


def setup_inputs(seed: int = 0) -> dict:
    key = jax.random.key(seed)
    k1, k2, k3, k4, k5 = jax.random.split(key, 5)
    B, C, S = 4, 12, 1024
    hidden_states = jax.random.normal(k1, (B, S + 1, HIDDEN), dtype=jnp.float32)
    x = jax.random.normal(k2, (B, C, S + 1, S + 1), dtype=jnp.float32)
    contribution = jax.random.normal(k3, (B, S + 1), dtype=jnp.float32)
    stdv1 = 1.0 / math.sqrt(512)
    W1 = jax.random.uniform(k4, (2, 512), minval=-stdv1, maxval=stdv1, dtype=jnp.float32)
    stdv2 = 1.0 / math.sqrt(HIDDEN)
    W2 = jax.random.uniform(k5, (512, HIDDEN), minval=-stdv2, maxval=stdv2, dtype=jnp.float32)
    return {"hidden_states": hidden_states, "x": x, "contribution": contribution,
            "select_num": 42, "W1": W1, "W2": W2}


def _leaky(v):
    return jnp.where(v >= 0, v, 0.2 * v)


def _gcn(inp, adj, W1, W2):
    # GraphConvolution: dropout(leaky_relu(adj @ (inp @ W))) ; dropout = identity (eval)
    h = _leaky(jnp.matmul(adj, jnp.matmul(inp, W1)))
    h = jax.nn.relu(h)
    out = _leaky(jnp.matmul(adj, jnp.matmul(h, W2)))
    return out


def _relative_coord(amap):
    N, C, H, W = amap.shape
    size = H
    mask = jnp.sum(amap, axis=1).reshape(N, H * W)
    thr = jnp.mean(mask, axis=1, keepdims=True)
    binary_mask = (mask > thr).astype(jnp.float32).reshape(N, H, W)
    masked_x = amap * binary_mask[:, None]
    masked_x = jnp.transpose(masked_x.reshape(N, C, H * W), (0, 2, 1))
    idx_max = jnp.argmax(jnp.mean(masked_x, axis=-1), axis=-1)
    basic_label = jnp.asarray(np.array([[(i, j) for j in range(size)] for i in range(size)]), dtype=jnp.float32)
    label = jnp.broadcast_to(basic_label[None], (N, H, W, 2)).reshape(N, H * W, 2)
    basic_anchor = label[jnp.arange(N), idx_max][:, None, :]
    rel = (label - basic_anchor) / size
    dist = jnp.sqrt(jnp.sum(rel ** 2, axis=-1))
    ang = (jnp.arctan2(rel[:, :, 1], rel[:, :, 0]) / np.pi + 1) / 2
    coord_total = jnp.concatenate([dist[:, :, None], ang[:, :, None]], axis=-1)
    weight = jnp.transpose(amap.reshape(N, C, H * W), (0, 2, 1))
    pw = jnp.mean(weight, axis=-1)[:, :, None]
    position_weight = jnp.matmul(pw, jnp.transpose(pw, (0, 2, 1)))
    return coord_total, basic_anchor[:, 0, :], position_weight


def reference(hidden_states, x, contribution, select_num, W1, W2):
    B, C = x.shape[0], x.shape[1]
    S = x.shape[3] - 1
    score = x[:, :, 0, 1:]
    _, sel_idx = jax.lax.top_k(score, PATCH_NUM)
    select = jnp.zeros(score.shape, dtype=bool)
    select = select.at[jnp.arange(B)[:, None, None], jnp.arange(C)[None, :, None], sel_idx].set(True)
    new_score = jnp.where(select, score, score * 0.7)
    H = int(round(S ** 0.5))
    amap = new_score.reshape(B, C, H, H)
    coord, anchor, posw = _relative_coord(amap)
    sinfo = _gcn(coord, posw, W1, W2)
    anchor_idx = (anchor[:, 0] * H + anchor[:, 1]).astype(jnp.int32)
    hidden_states = hidden_states.at[:, 0, :].add(sinfo[jnp.arange(B), anchor_idx])
    flat_idx = sel_idx.reshape(B, -1)
    count = jax.vmap(lambda v: jnp.bincount(v, length=S))(flat_idx).astype(jnp.float32)
    kernel = jnp.array([[1., 2., 1.], [2., 4., 2.], [1., 2., 1.]], dtype=jnp.float32).reshape(1, 1, 3, 3)
    cimg = count.reshape(B, 1, H, H)
    count = jax.lax.conv_general_dilated(cimg, kernel, (1, 1), 'SAME').reshape(B, -1)
    order = jnp.argsort(-count, axis=-1)
    patch_idx = order + 1
    SELECT_NUM = 42
    patch_idx = patch_idx[:, :SELECT_NUM]
    patch_idx = jnp.where(jnp.arange(SELECT_NUM)[None, :] < select_num, patch_idx, 0)
    selected = hidden_states[jnp.arange(B)[:, None], patch_idx]
    return hidden_states, selected, patch_idx

if __name__ == "__main__":
    import jax
    _d = setup_inputs()
    print(jax.jit(kernel)(*tuple(_d.values())))

</pallas_src>

<mosaic_0001>
#map = affine_map<(d0, d1) -> (0, 0)>
#map1 = affine_map<(d0, d1) -> (0)>
module attributes {stable_mosaic.version = 14 : i64} {
  func.func @_gather_body(%arg0: i32, %arg1: i32, %arg2: memref<4100x768xf32, #tpu.memory_space<hbm>>, %arg3: memref<256xi32, #tpu.memory_space<hbm>>, %arg4: memref<256x768xf32, #tpu.memory_space<hbm>>, %arg5: memref<16xi32, #tpu.memory_space<vmem>>, %arg6: memref<16x768xf32, #tpu.memory_space<vmem>>, %arg7: memref<!tpu.dma_semaphore, #tpu.memory_space<semaphore_mem>>) attributes {dimension_semantics = [#tpu.dimension_semantics<core_parallel>, #tpu.dimension_semantics<subcore_parallel>], iteration_bounds = array<i64: 1, 16>, scalar_prefetch = 0 : i64, scratch_operands = 3 : i64, tpu.core_type = #tpu.core_type<sc_vector_subcore>, window_params = [{transform_indices = #map}, {transform_indices = #map1}, {transform_indices = #map}]} {
    %mul3A = arith.constant 16 : i32
    %mul3A_0 = arith.muli %arg1, %mul3A : i32
    "tpu.region"() ({
      %run_scoped3A = tpu.sem_alloc : memref<!tpu.dma_semaphore, #tpu.memory_space<semaphore_mem>>
      %dma_start3A_5 = tpu.memref_slice %arg3[%mul3A_0] : memref<256xi32, #tpu.memory_space<hbm>> -> memref<16xi32, #tpu.memory_space<hbm>>
      %dma_start3A_6 = tpu.memref_slice %arg3[%mul3A_0] : memref<256xi32, #tpu.memory_space<hbm>> -> memref<16xi32, #tpu.memory_space<hbm>>
      tpu.enqueue_dma source(%dma_start3A_6 : memref<16xi32, #tpu.memory_space<hbm>>) target(%arg5 : memref<16xi32, #tpu.memory_space<vmem>>) target_semaphore(%run_scoped3A : memref<!tpu.dma_semaphore, #tpu.memory_space<semaphore_mem>>)
      %dma_wait3A_7 = tpu.memref_slice %arg3[%mul3A_0] : memref<256xi32, #tpu.memory_space<hbm>> -> memref<16xi32, #tpu.memory_space<hbm>>
      %dma_wait3A_8 = tpu.memref_slice %arg3[%mul3A_0] : memref<256xi32, #tpu.memory_space<hbm>> -> memref<16xi32, #tpu.memory_space<hbm>>
      tpu.wait_dma2 semaphore(%run_scoped3A : memref<!tpu.dma_semaphore, #tpu.memory_space<semaphore_mem>>) src(%dma_wait3A_8 : memref<16xi32, #tpu.memory_space<hbm>>) dst(%arg5 : memref<16xi32, #tpu.memory_space<vmem>>)
      tpu.yield
    }) : () -> ()
    %dma_start3A = arith.constant 0 : i32
    %dma_start3A_1 = arith.constant 0 : i32
    %dma_start3A_2 = tpu.memref_slice %arg2[%dma_start3A, %dma_start3A_1] : memref<4100x768xf32, #tpu.memory_space<hbm>> -> memref<4100x768xf32, #tpu.memory_space<hbm>>
    tpu.enqueue_indirect_dma source(%dma_start3A_2 : memref<4100x768xf32, #tpu.memory_space<hbm>>) target(%arg6 : memref<16x768xf32, #tpu.memory_space<vmem>>) offsets(%arg5 : memref<16xi32, #tpu.memory_space<vmem>>) semaphore(%arg7 : memref<!tpu.dma_semaphore, #tpu.memory_space<semaphore_mem>>)
    %dma_wait3A = arith.constant 0 : i32
    %dma_wait3A_3 = arith.constant 0 : i32
    %dma_wait3A_4 = tpu.memref_slice %arg2[%dma_wait3A, %dma_wait3A_3] : memref<4100x768xf32, #tpu.memory_space<hbm>> -> memref<4100x768xf32, #tpu.memory_space<hbm>>
    tpu.wait_indirect_dma semaphore(%arg7 : memref<!tpu.dma_semaphore, #tpu.memory_space<semaphore_mem>>) src(%dma_wait3A_4 : memref<4100x768xf32, #tpu.memory_space<hbm>>) dst(%arg6 : memref<16x768xf32, #tpu.memory_space<vmem>>)
    "tpu.region"() ({
      %run_scoped3A = tpu.sem_alloc : memref<!tpu.dma_semaphore, #tpu.memory_space<semaphore_mem>>
      %dma_start3A_5 = arith.constant 0 : i32
      %dma_start3A_6 = tpu.memref_slice %arg4[%mul3A_0, %dma_start3A_5] : memref<256x768xf32, #tpu.memory_space<hbm>> -> memref<16x768xf32, #tpu.memory_space<hbm>>
      %dma_start3A_7 = arith.constant 0 : i32
      %dma_start3A_8 = tpu.memref_slice %arg4[%mul3A_0, %dma_start3A_7] : memref<256x768xf32, #tpu.memory_space<hbm>> -> memref<16x768xf32, #tpu.memory_space<hbm>>
      tpu.enqueue_dma source(%arg6 : memref<16x768xf32, #tpu.memory_space<vmem>>) target(%dma_start3A_8 : memref<16x768xf32, #tpu.memory_space<hbm>>) target_semaphore(%run_scoped3A : memref<!tpu.dma_semaphore, #tpu.memory_space<semaphore_mem>>)
      %dma_wait3A_9 = arith.constant 0 : i32
      %dma_wait3A_10 = tpu.memref_slice %arg4[%mul3A_0, %dma_wait3A_9] : memref<256x768xf32, #tpu.memory_space<hbm>> -> memref<16x768xf32, #tpu.memory_space<hbm>>
      %dma_wait3A_11 = arith.constant 0 : i32
      %dma_wait3A_12 = tpu.memref_slice %arg4[%mul3A_0, %dma_wait3A_11] : memref<256x768xf32, #tpu.memory_space<hbm>> -> memref<16x768xf32, #tpu.memory_space<hbm>>
      tpu.wait_dma2 semaphore(%run_scoped3A : memref<!tpu.dma_semaphore, #tpu.memory_space<semaphore_mem>>) src(%arg6 : memref<16x768xf32, #tpu.memory_space<vmem>>) dst(%dma_wait3A_12 : memref<16x768xf32, #tpu.memory_space<hbm>>)
      tpu.yield
    }) : () -> ()
    return
  }
}

module attributes {stable_mosaic.version = 14 : i64} {
  func.func @_compute_body(%arg0: memref<1x1xi32, #tpu.memory_space<smem>>, %arg1: memref<48x1024xf32, #tpu.memory_space<vmem>>, %arg2: memref<4x768xf32, #tpu.memory_space<vmem>>, %arg3: memref<2x512xf32, #tpu.memory_space<vmem>>, %arg4: memref<512x768xf32, #tpu.memory_space<vmem>>, %arg5: memref<4x768xf32, #tpu.memory_space<vmem>>, %arg6: memref<4x64xi32, #tpu.memory_space<vmem>>, %arg7: memref<4x64xi32, #tpu.memory_space<vmem>>) attributes {dimension_semantics = [], scalar_prefetch = 0 : i64, scratch_operands = 0 : i64, tpu.core_type = #tpu.core_type<tc>} {
    %get3A = arith.constant 0 : index
    %get3A_0 = arith.constant 0 : index
    %get3A_1 = vector.load %arg1[%get3A, %get3A_0] : memref<48x1024xf32, #tpu.memory_space<vmem>>, vector<48x1024xf32>
    %broadcast_in_dim3A = arith.constant 1.000000e+00 : bf16
    %broadcast_in_dim3A_2 = vector.broadcast %broadcast_in_dim3A : bf16 to vector<1024x1xbf16>
    %bitcast_convert_type3A = tpu.bitcast %get3A_1 : vector<48x1024xf32> -> vector<48x1024xi32>
    %shift_right_logical3A = arith.constant 31 : i32
    %shift_right_logical3A_3 = vector.broadcast %shift_right_logical3A : i32 to vector<48x1024xi32>
    %shift_right_logical3A_4 = arith.shrui %bitcast_convert_type3A, %shift_right_logical3A_3 : vector<48x1024xi32>
    %gt3A = arith.constant 0 : i32
    %gt3A_5 = vector.broadcast %gt3A : i32 to vector<48x1024xi32>
    %gt3A_6 = arith.cmpi ugt, %shift_right_logical3A_4, %gt3A_5 : vector<48x1024xi32>
    %not3A = arith.constant dense<-1> : vector<48x1024xi32>
    %not3A_7 = arith.xori %bitcast_convert_type3A, %not3A : vector<48x1024xi32>
    %or3A = arith.constant -2147483648 : i32
    %or3A_8 = vector.broadcast %or3A : i32 to vector<48x1024xi32>
    %or3A_9 = arith.ori %bitcast_convert_type3A, %or3A_8 : vector<48x1024xi32>
    %select_n3A = arith.select %gt3A_6, %not3A_7, %or3A_9 : vector<48x1024xi1>, vector<48x1024xi32>
    %broadcast_in_dim3A_10 = arith.constant 0 : i32
    %broadcast_in_dim3A_11 = vector.broadcast %broadcast_in_dim3A_10 : i32 to vector<48x1xi32>
    %or3A_12 = arith.constant -2147483648 : i32
    %or3A_13 = vector.broadcast %or3A_12 : i32 to vector<48x1xi32>
    %or3A_14 = arith.ori %broadcast_in_dim3A_11, %or3A_13 : vector<48x1xi32>
    %ge3A = vector.broadcast %or3A_14 : vector<48x1xi32> to vector<48x1024xi32>
    %ge3A_15 = arith.cmpi uge, %select_n3A, %ge3A : vector<48x1024xi32>
    %convert_element_type3A = arith.extui %ge3A_15 : vector<48x1024xi1> to vector<48x1024xi32>
    %reduce_sum3A = arith.constant dense<0> : vector<48xi32>
    %reduce_sum3A_16 = vector.multi_reduction <add>, %convert_element_type3A, %reduce_sum3A [1] : vector<48x1024xi32> to vector<48xi32>
    %broadcast_in_dim3A_17 = vector.shape_cast %reduce_sum3A_16 : vector<48xi32> to vector<48x1xi32>
    %ge3A_18 = arith.constant 84 : i32
    %ge3A_19 = vector.broadcast %ge3A_18 : i32 to vector<48x1xi32>
    %ge3A_20 = arith.cmpi sge, %broadcast_in_dim3A_17, %ge3A_19 : vector<48x1xi32>
    %select_n3A_21 = arith.select %ge3A_20, %or3A_14, %broadcast_in_dim3A_11 : vector<48x1xi1>, vector<48x1xi32>
    %or3A_22 = arith.constant 1073741824 : i32
    %or3A_23 = vector.broadcast %or3A_22 : i32 to vector<48x1xi32>
    %or3A_24 = arith.ori %select_n3A_21, %or3A_23 : vector<48x1xi32>
    %ge3A_25 = vector.broadcast %or3A_24 : vector<48x1xi32> to vector<48x1024xi32>
    %ge3A_26 = arith.cmpi uge, %select_n3A, %ge3A_25 : vector<48x1024xi32>
    %convert_element_type3A_27 = arith.extui %ge3A_26 : vector<48x1024xi1> to vector<48x1024xi32>
    %reduce_sum3A_28 = arith.constant dense<0> : vector<48xi32>
    %reduce_sum3A_29 = vector.multi_reduction <add>, %convert_element_type3A_27, %reduce_sum3A_28 [1] : vector<48x1024xi32> to vector<48xi32>
    %broadcast_in_dim3A_30 = vector.shape_cast %reduce_sum3A_29 : vector<48xi32> to vector<48x1xi32>
    %ge3A_31 = arith.constant 84 : i32
    %ge3A_32 = vector.broadcast %ge3A_31 : i32 to vector<48x1xi32>
    %ge3A_33 = arith.cmpi sge, %broadcast_in_dim3A_30, %ge3A_32 : vector<48x1xi32>
    %select_n3A_34 = arith.select %ge3A_33, %or3A_24, %select_n3A_21 : vector<48x1xi1>, vector<48x1xi32>
    %or3A_35 = arith.constant 536870912 : i32
    %or3A_36 = vector.broadcast %or3A_35 : i32 to vector<48x1xi32>
    %or3A_37 = arith.ori %select_n3A_34, %or3A_36 : vector<48x1xi32>
    %ge3A_38 = vector.broadcast %or3A_37 : vector<48x1xi32> to vector<48x1024xi32>
    %ge3A_39 = arith.cmpi uge, %select_n3A, %ge3A_38 : vector<48x1024xi32>
    %convert_element_type3A_40 = arith.extui %ge3A_39 : vector<48x1024xi1> to vector<48x1024xi32>
    %reduce_sum3A_41 = arith.constant dense<0> : vector<48xi32>
    %reduce_sum3A_42 = vector.multi_reduction <add>, %convert_element_type3A_40, %reduce_sum3A_41 [1] : vector<48x1024xi32> to vector<48xi32>
    %broadcast_in_dim3A_43 = vector.shape_cast %reduce_sum3A_42 : vector<48xi32> to vector<48x1xi32>
    %ge3A_44 = arith.constant 84 : i32
    %ge3A_45 = vector.broadcast %ge3A_44 : i32 to vector<48x1xi32>
    %ge3A_46 = arith.cmpi sge, %broadcast_in_dim3A_43, %ge3A_45 : vector<48x1xi32>
    %select_n3A_47 = arith.select %ge3A_46, %or3A_37, %select_n3A_34 : vector<48x1xi1>, vector<48x1xi32>
    %or3A_48 = arith.constant 268435456 : i32
    %or3A_49 = vector.broadcast %or3A_48 : i32 to vector<48x1xi32>
    %or3A_50 = arith.ori %select_n3A_47, %or3A_49 : vector<48x1xi32>
    %ge3A_51 = vector.broadcast %or3A_50 : vector<48x1xi32> to vector<48x1024xi32>
    %ge3A_52 = arith.cmpi uge, %select_n3A, %ge3A_51 : vector<48x1024xi32>
    %convert_element_type3A_53 = arith.extui %ge3A_52 : vector<48x1024xi1> to vector<48x1024xi32>
    %reduce_sum3A_54 = arith.constant dense<0> : vector<48xi32>
    %reduce_sum3A_55 = vector.multi_reduction <add>, %convert_element_type3A_53, %reduce_sum3A_54 [1] : vector<48x1024xi32> to vector<48xi32>
    %broadcast_in_dim3A_56 = vector.shape_cast %reduce_sum3A_55 : vector<48xi32> to vector<48x1xi32>
    %ge3A_57 = arith.constant 84 : i32
    %ge3A_58 = vector.broadcast %ge3A_57 : i32 to vector<48x1xi32>
    %ge3A_59 = arith.cmpi sge, %broadcast_in_dim3A_56, %ge3A_58 : vector<48x1xi32>
    %select_n3A_60 = arith.select %ge3A_59, %or3A_50, %select_n3A_47 : vector<48x1xi1>, vector<48x1xi32>
    %or3A_61 = arith.constant 134217728 : i32
    %or3A_62 = vector.broadcast %or3A_61 : i32 to vector<48x1xi32>
    %or3A_63 = arith.ori %select_n3A_60, %or3A_62 : vector<48x1xi32>
    %ge3A_64 = vector.broadcast %or3A_63 : vector<48x1xi32> to vector<48x1024xi32>
    %ge3A_65 = arith.cmpi uge, %select_n3A, %ge3A_64 : vector<48x1024xi32>
    %convert_element_type3A_66 = arith.extui %ge3A_65 : vector<48x1024xi1> to vector<48x1024xi32>
    %reduce_sum3A_67 = arith.constant dense<0> : vector<48xi32>
    %reduce_sum3A_68 = vector.multi_reduction <add>, %convert_element_type3A_66, %reduce_sum3A_67 [1] : vector<48x1024xi32> to vector<48xi32>
    %broadcast_in_dim3A_69 = vector.shape_cast %reduce_sum3A_68 : vector<48xi32> to vector<48x1xi32>
    %ge3A_70 = arith.constant 84 : i32
    %ge3A_71 = vector.broadcast %ge3A_70 : i32 to vector<48x1xi32>
    %ge3A_72 = arith.cmpi sge, %broadcast_in_dim3A_69, %ge3A_71 : vector<48x1xi32>
    %select_n3A_73 = arith.select %ge3A_72, %or3A_63, %select_n3A_60 : vector<48x1xi1>, vector<48x1xi32>
    %or3A_74 = arith.constant 67108864 : i32
    %or3A_75 = vector.broadcast %or3A_74 : i32 to vector<48x1xi32>
    %or3A_76 = arith.ori %select_n3A_73, %or3A_75 : vector<48x1xi32>
    %ge3A_77 = vector.broadcast %or3A_76 : vector<48x1xi32> to vector<48x1024xi32>
    %ge3A_78 = arith.cmpi uge, %select_n3A, %ge3A_77 : vector<48x1024xi32>
    %convert_element_type3A_79 = arith.extui %ge3A_78 : vector<48x1024xi1> to vector<48x1024xi32>
    %reduce_sum3A_80 = arith.constant dense<0> : vector<48xi32>
    %reduce_sum3A_81 = vector.multi_reduction <add>, %convert_element_type3A_79, %reduce_sum3A_80 [1] : vector<48x1024xi32> to vector<48xi32>
    %broadcast_in_dim3A_82 = vector.shape_cast %reduce_sum3A_81 : vector<48xi32> to vector<48x1xi32>
    %ge3A_83 = arith.constant 84 : i32
    %ge3A_84 = vector.broadcast %ge3A_83 : i32 to vector<48x1xi32>
    %ge3A_85 = arith.cmpi sge, %broadcast_in_dim3A_82, %ge3A_84 : vector<48x1xi32>
    %select_n3A_86 = arith.select %ge3A_85, %or3A_76, %select_n3A_73 : vector<48x1xi1>, vector<48x1xi32>
    %or3A_87 = arith.constant 33554432 : i32
    %or3A_88 = vector.broadcast %or3A_87 : i32 to vector<48x1xi32>
    %or3A_89 = arith.ori %select_n3A_86, %or3A_88 : vector<48x1xi32>
    %ge3A_90 = vector.broadcast %or3A_89 : vector<48x1xi32> to vector<48x1024xi32>
    %ge3A_91 = arith.cmpi uge, %select_n3A, %ge3A_90 : vector<48x1024xi32>
    %convert_element_type3A_92 = arith.extui %ge3A_91 : vector<48x1024xi1> to vector<48x1024xi32>
    %reduce_sum3A_93 = arith.constant dense<0> : vector<48xi32>
    %reduce_sum3A_94 = vector.multi_reduction <add>, %convert_element_type3A_92, %reduce_sum3A_93 [1] : vector<48x1024xi32> to vector<48xi32>
    %broadcast_in_dim3A_95 = vector.shape_cast %reduce_sum3A_94 : vector<48xi32> to vector<48x1xi32>
    %ge3A_96 = arith.constant 84 : i32
    %ge3A_97 = vector.broadcast %ge3A_96 : i32 to vector<48x1xi32>
    %ge3A_98 = arith.cmpi sge, %broadcast_in_dim3A_95, %ge3A_97 : vector<48x1xi32>
    %select_n3A_99 = arith.select %ge3A_98, %or3A_89, %select_n3A_86 : vector<48x1xi1>, vector<48x1xi32>
    %or3A_100 = arith.constant 16777216 : i32
    %or3A_101 = vector.broadcast %or3A_100 : i32 to vector<48x1xi32>
    %or3A_102 = arith.ori %select_n3A_99, %or3A_101 : vector<48x1xi32>
    %ge3A_103 = vector.broadcast %or3A_102 : vector<48x1xi32> to vector<48x1024xi32>
    %ge3A_104 = arith.cmpi uge, %select_n3A, %ge3A_103 : vector<48x1024xi32>
    %convert_element_type3A_105 = arith.extui %ge3A_104 : vector<48x1024xi1> to vector<48x1024xi32>
    %reduce_sum3A_106 = arith.constant dense<0> : vector<48xi32>
    %reduce_sum3A_107 = vector.multi_reduction <add>, %convert_element_type3A_105, %reduce_sum3A_106 [1] : vector<48x1024xi32> to vector<48xi32>
    %broadcast_in_dim3A_108 = vector.shape_cast %reduce_sum3A_107 : vector<48xi32> to vector<48x1xi32>
    %ge3A_109 = arith.constant 84 : i32
    %ge3A_110 = vector.broadcast %ge3A_109 : i32 to vector<48x1xi32>
    %ge3A_111 = arith.cmpi sge, %broadcast_in_dim3A_108, %ge3A_110 : vector<48x1xi32>
    %select_n3A_112 = arith.select %ge3A_111, %or3A_102, %select_n3A_99 : vector<48x1xi1>, vector<48x1xi32>
    %or3A_113 = arith.constant 8388608 : i32
    %or3A_114 = vector.broadcast %or3A_113 : i32 to vector<48x1xi32>
    %or3A_115 = arith.ori %select_n3A_112, %or3A_114 : vector<48x1xi32>
    %ge3A_116 = vector.broadcast %or3A_115 : vector<48x1xi32> to vector<48x1024xi32>
    %ge3A_117 = arith.cmpi uge, %select_n3A, %ge3A_116 : vector<48x1024xi32>
    %convert_element_type3A_118 = arith.extui %ge3A_117 : vector<48x1024xi1> to vector<48x1024xi32>
    %reduce_sum3A_119 = arith.constant dense<0> : vector<48xi32>
    %reduce_sum3A_120 = vector.multi_reduction <add>, %convert_element_type3A_118, %reduce_sum3A_119 [1] : vector<48x1024xi32> to vector<48xi32>
    %broadcast_in_dim3A_121 = vector.shape_cast %reduce_sum3A_120 : vector<48xi32> to vector<48x1xi32>
    %ge3A_122 = arith.constant 84 : i32
    %ge3A_123 = vector.broadcast %ge3A_122 : i32 to vector<48x1xi32>
    %ge3A_124 = arith.cmpi sge, %broadcast_in_dim3A_121, %ge3A_123 : vector<48x1xi32>
    %select_n3A_125 = arith.select %ge3A_124, %or3A_115, %select_n3A_112 : vector<48x1xi1>, vector<48x1xi32>
    %or3A_126 = arith.constant 4194304 : i32
    %or3A_127 = vector.broadcast %or3A_126 : i32 to vector<48x1xi32>
    %or3A_128 = arith.ori %select_n3A_125, %or3A_127 : vector<48x1xi32>
    %ge3A_129 = vector.broadcast %or3A_128 : vector<48x1xi32> to vector<48x1024xi32>
    %ge3A_130 = arith.cmpi uge, %select_n3A, %ge3A_129 : vector<48x1024xi32>
    %convert_element_type3A_131 = arith.extui %ge3A_130 : vector<48x1024xi1> to vector<48x1024xi32>
    %reduce_sum3A_132 = arith.constant dense<0> : vector<48xi32>
    %reduce_sum3A_133 = vector.multi_reduction <add>, %convert_element_type3A_131, %reduce_sum3A_132 [1] : vector<48x1024xi32> to vector<48xi32>
    %broadcast_in_dim3A_134 = vector.shape_cast %reduce_sum3A_133 : vector<48xi32> to vector<48x1xi32>
    %ge3A_135 = arith.constant 84 : i32
    %ge3A_136 = vector.broadcast %ge3A_135 : i32 to vector<48x1xi32>
    %ge3A_137 = arith.cmpi sge, %broadcast_in_dim3A_134, %ge3A_136 : vector<48x1xi32>
    %select_n3A_138 = arith.select %ge3A_137, %or3A_128, %select_n3A_125 : vector<48x1xi1>, vector<48x1xi32>
    %or3A_139 = arith.constant 2097152 : i32
    %or3A_140 = vector.broadcast %or3A_139 : i32 to vector<48x1xi32>
    %or3A_141 = arith.ori %select_n3A_138, %or3A_140 : vector<48x1xi32>
    %ge3A_142 = vector.broadcast %or3A_141 : vector<48x1xi32> to vector<48x1024xi32>
    %ge3A_143 = arith.cmpi uge, %select_n3A, %ge3A_142 : vector<48x1024xi32>
    %convert_element_type3A_144 = arith.extui %ge3A_143 : vector<48x1024xi1> to vector<48x1024xi32>
    %reduce_sum3A_145 = arith.constant dense<0> : vector<48xi32>
    %reduce_sum3A_146 = vector.multi_reduction <add>, %convert_element_type3A_144, %reduce_sum3A_145 [1] : vector<48x1024xi32> to vector<48xi32>
    %broadcast_in_dim3A_147 = vector.shape_cast %reduce_sum3A_146 : vector<48xi32> to vector<48x1xi32>
    %ge3A_148 = arith.constant 84 : i32
    %ge3A_149 = vector.broadcast %ge3A_148 : i32 to vector<48x1xi32>
    %ge3A_150 = arith.cmpi sge, %broadcast_in_dim3A_147, %ge3A_149 : vector<48x1xi32>
    %select_n3A_151 = arith.select %ge3A_150, %or3A_141, %select_n3A_138 : vector<48x1xi1>, vector<48x1xi32>
    %or3A_152 = arith.constant 1048576 : i32
    %or3A_153 = vector.broadcast %or3A_152 : i32 to vector<48x1xi32>
    %or3A_154 = arith.ori %select_n3A_151, %or3A_153 : vector<48x1xi32>
    %ge3A_155 = vector.broadcast %or3A_154 : vector<48x1xi32> to vector<48x1024xi32>
    %ge3A_156 = arith.cmpi uge, %select_n3A, %ge3A_155 : vector<48x1024xi32>
    %convert_element_type3A_157 = arith.extui %ge3A_156 : vector<48x1024xi1> to vector<48x1024xi32>
    %reduce_sum3A_158 = arith.constant dense<0> : vector<48xi32>
    %reduce_sum3A_159 = vector.multi_reduction <add>, %convert_element_type3A_157, %reduce_sum3A_158 [1] : vector<48x1024xi32> to vector<48xi32>
    %broadcast_in_dim3A_160 = vector.shape_cast %reduce_sum3A_159 : vector<48xi32> to vector<48x1xi32>
    %ge3A_161 = arith.constant 84 : i32
    %ge3A_162 = vector.broadcast %ge3A_161 : i32 to vector<48x1xi32>
    %ge3A_163 = arith.cmpi sge, %broadcast_in_dim3A_160, %ge3A_162 : vector<48x1xi32>
    %select_n3A_164 = arith.select %ge3A_163, %or3A_154, %select_n3A_151 : vector<48x1xi1>, vector<48x1xi32>
    %or3A_165 = arith.constant 524288 : i32
    %or3A_166 = vector.broadcast %or3A_165 : i32 to vector<48x1xi32>
    %or3A_167 = arith.ori %select_n3A_164, %or3A_166 : vector<48x1xi32>
    %ge3A_168 = vector.broadcast %or3A_167 : vector<48x1xi32> to vector<48x1024xi32>
    %ge3A_169 = arith.cmpi uge, %select_n3A, %ge3A_168 : vector<48x1024xi32>
    %convert_element_type3A_170 = arith.extui %ge3A_169 : vector<48x1024xi1> to vector<48x1024xi32>
    %reduce_sum3A_171 = arith.constant dense<0> : vector<48xi32>
    %reduce_sum3A_172 = vector.multi_reduction <add>, %convert_element_type3A_170, %reduce_sum3A_171 [1] : vector<48x1024xi32> to vector<48xi32>
    %broadcast_in_dim3A_173 = vector.shape_cast %reduce_sum3A_172 : vector<48xi32> to vector<48x1xi32>
    %ge3A_174 = arith.constant 84 : i32
    %ge3A_175 = vector.broadcast %ge3A_174 : i32 to vector<48x1xi32>
    %ge3A_176 = arith.cmpi sge, %broadcast_in_dim3A_173, %ge3A_175 : vector<48x1xi32>
    %select_n3A_177 = arith.select %ge3A_176, %or3A_167, %select_n3A_164 : vector<48x1xi1>, vector<48x1xi32>
    %or3A_178 = arith.constant 262144 : i32
    %or3A_179 = vector.broadcast %or3A_178 : i32 to vector<48x1xi32>
    %or3A_180 = arith.ori %select_n3A_177, %or3A_179 : vector<48x1xi32>
    %ge3A_181 = vector.broadcast %or3A_180 : vector<48x1xi32> to vector<48x1024xi32>
    %ge3A_182 = arith.cmpi uge, %select_n3A, %ge3A_181 : vector<48x1024xi32>
    %convert_element_type3A_183 = arith.extui %ge3A_182 : vector<48x1024xi1> to vector<48x1024xi32>
    %reduce_sum3A_184 = arith.constant dense<0> : vector<48xi32>
    %reduce_sum3A_185 = vector.multi_reduction <add>, %convert_element_type3A_183, %reduce_sum3A_184 [1] : vector<48x1024xi32> to vector<48xi32>
    %broadcast_in_dim3A_186 = vector.shape_cast %reduce_sum3A_185 : vector<48xi32> to vector<48x1xi32>
    %ge3A_187 = arith.constant 84 : i32
    %ge3A_188 = vector.broadcast %ge3A_187 : i32 to vector<48x1xi32>
    %ge3A_189 = arith.cmpi sge, %broadcast_in_dim3A_186, %ge3A_188 : vector<48x1xi32>
    %select_n3A_190 = arith.select %ge3A_189, %or3A_180, %select_n3A_177 : vector<48x1xi1>, vector<48x1xi32>
    %or3A_191 = arith.constant 131072 : i32
    %or3A_192 = vector.broadcast %or3A_191 : i32 to vector<48x1xi32>
    %or3A_193 = arith.ori %select_n3A_190, %or3A_192 : vector<48x1xi32>
    %ge3A_194 = vector.broadcast %or3A_193 : vector<48x1xi32> to vector<48x1024xi32>
    %ge3A_195 = arith.cmpi uge, %select_n3A, %ge3A_194 : vector<48x1024xi32>
    %convert_element_type3A_196 = arith.extui %ge3A_195 : vector<48x1024xi1> to vector<48x1024xi32>
    %reduce_sum3A_197 = arith.constant dense<0> : vector<48xi32>
    %reduce_sum3A_198 = vector.multi_reduction <add>, %convert_element_type3A_196, %reduce_sum3A_197 [1] : vector<48x1024xi32> to vector<48xi32>
    %broadcast_in_dim3A_199 = vector.shape_cast %reduce_sum3A_198 : vector<48xi32> to vector<48x1xi32>
    %ge3A_200 = arith.constant 84 : i32
    %ge3A_201 = vector.broadcast %ge3A_200 : i32 to vector<48x1xi32>
    %ge3A_202 = arith.cmpi sge, %broadcast_in_dim3A_199, %ge3A_201 : vector<48x1xi32>
    %select_n3A_203 = arith.select %ge3A_202, %or3A_193, %select_n3A_190 : vector<48x1xi1>, vector<48x1xi32>
    %or3A_204 = arith.constant 65536 : i32
    %or3A_205 = vector.broadcast %or3A_204 : i32 to vector<48x1xi32>
    %or3A_206 = arith.ori %select_n3A_203, %or3A_205 : vector<48x1xi32>
    %ge3A_207 = vector.broadcast %or3A_206 : vector<48x1xi32> to vector<48x1024xi32>
    %ge3A_208 = arith.cmpi uge, %select_n3A, %ge3A_207 : vector<48x1024xi32>
    %convert_element_type3A_209 = arith.extui %ge3A_208 : vector<48x1024xi1> to vector<48x1024xi32>
    %reduce_sum3A_210 = arith.constant dense<0> : vector<48xi32>
    %reduce_sum3A_211 = vector.multi_reduction <add>, %convert_element_type3A_209, %reduce_sum3A_210 [1] : vector<48x1024xi32> to vector<48xi32>
    %broadcast_in_dim3A_212 = vector.shape_cast %reduce_sum3A_211 : vector<48xi32> to vector<48x1xi32>
    %ge3A_213 = arith.constant 84 : i32
    %ge3A_214 = vector.broadcast %ge3A_213 : i32 to vector<48x1xi32>
    %ge3A_215 = arith.cmpi sge, %broadcast_in_dim3A_212, %ge3A_214 : vector<48x1xi32>
    %select_n3A_216 = arith.select %ge3A_215, %or3A_206, %select_n3A_203 : vector<48x1xi1>, vector<48x1xi32>
    %or3A_217 = arith.constant 32768 : i32
    %or3A_218 = vector.broadcast %or3A_217 : i32 to vector<48x1xi32>
    %or3A_219 = arith.ori %select_n3A_216, %or3A_218 : vector<48x1xi32>
    %ge3A_220 = vector.broadcast %or3A_219 : vector<48x1xi32> to vector<48x1024xi32>
    %ge3A_221 = arith.cmpi uge, %select_n3A, %ge3A_220 : vector<48x1024xi32>
    %convert_element_type3A_222 = arith.extui %ge3A_221 : vector<48x1024xi1> to vector<48x1024xi32>
    %reduce_sum3A_223 = arith.constant dense<0> : vector<48xi32>
    %reduce_sum3A_224 = vector.multi_reduction <add>, %convert_element_type3A_222, %reduce_sum3A_223 [1] : vector<48x1024xi32> to vector<48xi32>
    %broadcast_in_dim3A_225 = vector.shape_cast %reduce_sum3A_224 : vector<48xi32> to vector<48x1xi32>
    %ge3A_226 = arith.constant 84 : i32
    %ge3A_227 = vector.broadcast %ge3A_226 : i32 to vector<48x1xi32>
    %ge3A_228 = arith.cmpi sge, %broadcast_in_dim3A_225, %ge3A_227 : vector<48x1xi32>
    %select_n3A_229 = arith.select %ge3A_228, %or3A_219, %select_n3A_216 : vector<48x1xi1>, vector<48x1xi32>
    %or3A_230 = arith.constant 16384 : i32
    %or3A_231 = vector.broadcast %or3A_230 : i32 to vector<48x1xi32>
    %or3A_232 = arith.ori %select_n3A_229, %or3A_231 : vector<48x1xi32>
    %ge3A_233 = vector.broadcast %or3A_232 : vector<48x1xi32> to vector<48x1024xi32>
    %ge3A_234 = arith.cmpi uge, %select_n3A, %ge3A_233 : vector<48x1024xi32>
    %convert_element_type3A_235 = arith.extui %ge3A_234 : vector<48x1024xi1> to vector<48x1024xi32>
    %reduce_sum3A_236 = arith.constant dense<0> : vector<48xi32>
    %reduce_sum3A_237 = vector.multi_reduction <add>, %convert_element_type3A_235, %reduce_sum3A_236 [1] : vector<48x1024xi32> to vector<48xi32>
    %broadcast_in_dim3A_238 = vector.shape_cast %reduce_sum3A_237 : vector<48xi32> to vector<48x1xi32>
    %ge3A_239 = arith.constant 84 : i32
    %ge3A_240 = vector.broadcast %ge3A_239 : i32 to vector<48x1xi32>
    %ge3A_241 = arith.cmpi sge, %broadcast_in_dim3A_238, %ge3A_240 : vector<48x1xi32>
    %select_n3A_242 = arith.select %ge3A_241, %or3A_232, %select_n3A_229 : vector<48x1xi1>, vector<48x1xi32>
    %or3A_243 = arith.constant 8192 : i32
    %or3A_244 = vector.broadcast %or3A_243 : i32 to vector<48x1xi32>
    %or3A_245 = arith.ori %select_n3A_242, %or3A_244 : vector<48x1xi32>
    %ge3A_246 = vector.broadcast %or3A_245 : vector<48x1xi32> to vector<48x1024xi32>
    %ge3A_247 = arith.cmpi uge, %select_n3A, %ge3A_246 : vector<48x1024xi32>
    %convert_element_type3A_248 = arith.extui %ge3A_247 : vector<48x1024xi1> to vector<48x1024xi32>
    %reduce_sum3A_249 = arith.constant dense<0> : vector<48xi32>
    %reduce_sum3A_250 = vector.multi_reduction <add>, %convert_element_type3A_248, %reduce_sum3A_249 [1] : vector<48x1024xi32> to vector<48xi32>
    %broadcast_in_dim3A_251 = vector.shape_cast %reduce_sum3A_250 : vector<48xi32> to vector<48x1xi32>
    %ge3A_252 = arith.constant 84 : i32
    %ge3A_253 = vector.broadcast %ge3A_252 : i32 to vector<48x1xi32>
    %ge3A_254 = arith.cmpi sge, %broadcast_in_dim3A_251, %ge3A_253 : vector<48x1xi32>
    %select_n3A_255 = arith.select %ge3A_254, %or3A_245, %select_n3A_242 : vector<48x1xi1>, vector<48x1xi32>
    %or3A_256 = arith.constant 4096 : i32
    %or3A_257 = vector.broadcast %or3A_256 : i32 to vector<48x1xi32>
    %or3A_258 = arith.ori %select_n3A_255, %or3A_257 : vector<48x1xi32>
    %ge3A_259 = vector.broadcast %or3A_258 : vector<48x1xi32> to vector<48x1024xi32>
    %ge3A_260 = arith.cmpi uge, %select_n3A, %ge3A_259 : vector<48x1024xi32>
    %convert_element_type3A_261 = arith.extui %ge3A_260 : vector<48x1024xi1> to vector<48x1024xi32>
    %reduce_sum3A_262 = arith.constant dense<0> : vector<48xi32>
    %reduce_sum3A_263 = vector.multi_reduction <add>, %convert_element_type3A_261, %reduce_sum3A_262 [1] : vector<48x1024xi32> to vector<48xi32>
    %broadcast_in_dim3A_264 = vector.shape_cast %reduce_sum3A_263 : vector<48xi32> to vector<48x1xi32>
    %ge3A_265 = arith.constant 84 : i32
    %ge3A_266 = vector.broadcast %ge3A_265 : i32 to vector<48x1xi32>
    %ge3A_267 = arith.cmpi sge, %broadcast_in_dim3A_264, %ge3A_266 : vector<48x1xi32>
    %select_n3A_268 = arith.select %ge3A_267, %or3A_258, %select_n3A_255 : vector<48x1xi1>, vector<48x1xi32>
    %or3A_269 = arith.constant 2048 : i32
    %or3A_270 = vector.broadcast %or3A_269 : i32 to vector<48x1xi32>
    %or3A_271 = arith.ori %select_n3A_268, %or3A_270 : vector<48x1xi32>
    %ge3A_272 = vector.broadcast %or3A_271 : vector<48x1xi32> to vector<48x1024xi32>
    %ge3A_273 = arith.cmpi uge, %select_n3A, %ge3A_272 : vector<48x1024xi32>
    %convert_element_type3A_274 = arith.extui %ge3A_273 : vector<48x1024xi1> to vector<48x1024xi32>
    %reduce_sum3A_275 = arith.constant dense<0> : vector<48xi32>
    %reduce_sum3A_276 = vector.multi_reduction <add>, %convert_element_type3A_274, %reduce_sum3A_275 [1] : vector<48x1024xi32> to vector<48xi32>
    %broadcast_in_dim3A_277 = vector.shape_cast %reduce_sum3A_276 : vector<48xi32> to vector<48x1xi32>
    %ge3A_278 = arith.constant 84 : i32
    %ge3A_279 = vector.broadcast %ge3A_278 : i32 to vector<48x1xi32>
    %ge3A_280 = arith.cmpi sge, %broadcast_in_dim3A_277, %ge3A_279 : vector<48x1xi32>
    %select_n3A_281 = arith.select %ge3A_280, %or3A_271, %select_n3A_268 : vector<48x1xi1>, vector<48x1xi32>
    %or3A_282 = arith.constant 1024 : i32
    %or3A_283 = vector.broadcast %or3A_282 : i32 to vector<48x1xi32>
    %or3A_284 = arith.ori %select_n3A_281, %or3A_283 : vector<48x1xi32>
    %ge3A_285 = vector.broadcast %or3A_284 : vector<48x1xi32> to vector<48x1024xi32>
    %ge3A_286 = arith.cmpi uge, %select_n3A, %ge3A_285 : vector<48x1024xi32>
    %convert_element_type3A_287 = arith.extui %ge3A_286 : vector<48x1024xi1> to vector<48x1024xi32>
    %reduce_sum3A_288 = arith.constant dense<0> : vector<48xi32>
    %reduce_sum3A_289 = vector.multi_reduction <add>, %convert_element_type3A_287, %reduce_sum3A_288 [1] : vector<48x1024xi32> to vector<48xi32>
    %broadcast_in_dim3A_290 = vector.shape_cast %reduce_sum3A_289 : vector<48xi32> to vector<48x1xi32>
    %ge3A_291 = arith.constant 84 : i32
    %ge3A_292 = vector.broadcast %ge3A_291 : i32 to vector<48x1xi32>
    %ge3A_293 = arith.cmpi sge, %broadcast_in_dim3A_290, %ge3A_292 : vector<48x1xi32>
    %select_n3A_294 = arith.select %ge3A_293, %or3A_284, %select_n3A_281 : vector<48x1xi1>, vector<48x1xi32>
    %or3A_295 = arith.constant 512 : i32
    %or3A_296 = vector.broadcast %or3A_295 : i32 to vector<48x1xi32>
    %or3A_297 = arith.ori %select_n3A_294, %or3A_296 : vector<48x1xi32>
    %ge3A_298 = vector.broadcast %or3A_297 : vector<48x1xi32> to vector<48x1024xi32>
    %ge3A_299 = arith.cmpi uge, %select_n3A, %ge3A_298 : vector<48x1024xi32>
    %convert_element_type3A_300 = arith.extui %ge3A_299 : vector<48x1024xi1> to vector<48x1024xi32>
    %reduce_sum3A_301 = arith.constant dense<0> : vector<48xi32>
    %reduce_sum3A_302 = vector.multi_reduction <add>, %convert_element_type3A_300, %reduce_sum3A_301 [1] : vector<48x1024xi32> to vector<48xi32>
    %broadcast_in_dim3A_303 = vector.shape_cast %reduce_sum3A_302 : vector<48xi32> to vector<48x1xi32>
    %ge3A_304 = arith.constant 84 : i32
    %ge3A_305 = vector.broadcast %ge3A_304 : i32 to vector<48x1xi32>
    %ge3A_306 = arith.cmpi sge, %broadcast_in_dim3A_303, %ge3A_305 : vector<48x1xi32>
    %select_n3A_307 = arith.select %ge3A_306, %or3A_297, %select_n3A_294 : vector<48x1xi1>, vector<48x1xi32>
    %or3A_308 = arith.constant 256 : i32
    %or3A_309 = vector.broadcast %or3A_308 : i32 to vector<48x1xi32>
    %or3A_310 = arith.ori %select_n3A_307, %or3A_309 : vector<48x1xi32>
    %ge3A_311 = vector.broadcast %or3A_310 : vector<48x1xi32> to vector<48x1024xi32>
    %ge3A_312 = arith.cmpi uge, %select_n3A, %ge3A_311 : vector<48x1024xi32>
    %convert_element_type3A_313 = arith.extui %ge3A_312 : vector<48x1024xi1> to vector<48x1024xi32>
    %reduce_sum3A_314 = arith.constant dense<0> : vector<48xi32>
    %reduce_sum3A_315 = vector.multi_reduction <add>, %convert_element_type3A_313, %reduce_sum3A_314 [1] : vector<48x1024xi32> to vector<48xi32>
    %broadcast_in_dim3A_316 = vector.shape_cast %reduce_sum3A_315 : vector<48xi32> to vector<48x1xi32>
    %ge3A_317 = arith.constant 84 : i32
    %ge3A_318 = vector.broadcast %ge3A_317 : i32 to vector<48x1xi32>
    %ge3A_319 = arith.cmpi sge, %broadcast_in_dim3A_316, %ge3A_318 : vector<48x1xi32>
    %select_n3A_320 = arith.select %ge3A_319, %or3A_310, %select_n3A_307 : vector<48x1xi1>, vector<48x1xi32>
    %or3A_321 = arith.constant 128 : i32
    %or3A_322 = vector.broadcast %or3A_321 : i32 to vector<48x1xi32>
    %or3A_323 = arith.ori %select_n3A_320, %or3A_322 : vector<48x1xi32>
    %ge3A_324 = vector.broadcast %or3A_323 : vector<48x1xi32> to vector<48x1024xi32>
    %ge3A_325 = arith.cmpi uge, %select_n3A, %ge3A_324 : vector<48x1024xi32>
    %convert_element_type3A_326 = arith.extui %ge3A_325 : vector<48x1024xi1> to vector<48x1024xi32>
    %reduce_sum3A_327 = arith.constant dense<0> : vector<48xi32>
    %reduce_sum3A_328 = vector.multi_reduction <add>, %convert_element_type3A_326, %reduce_sum3A_327 [1] : vector<48x1024xi32> to vector<48xi32>
    %broadcast_in_dim3A_329 = vector.shape_cast %reduce_sum3A_328 : vector<48xi32> to vector<48x1xi32>
    %ge3A_330 = arith.constant 84 : i32
    %ge3A_331 = vector.broadcast %ge3A_330 : i32 to vector<48x1xi32>
    %ge3A_332 = arith.cmpi sge, %broadcast_in_dim3A_329, %ge3A_331 : vector<48x1xi32>
    %select_n3A_333 = arith.select %ge3A_332, %or3A_323, %select_n3A_320 : vector<48x1xi1>, vector<48x1xi32>
    %or3A_334 = arith.constant 64 : i32
    %or3A_335 = vector.broadcast %or3A_334 : i32 to vector<48x1xi32>
    %or3A_336 = arith.ori %select_n3A_333, %or3A_335 : vector<48x1xi32>
    %ge3A_337 = vector.broadcast %or3A_336 : vector<48x1xi32> to vector<48x1024xi32>
    %ge3A_338 = arith.cmpi uge, %select_n3A, %ge3A_337 : vector<48x1024xi32>
    %convert_element_type3A_339 = arith.extui %ge3A_338 : vector<48x1024xi1> to vector<48x1024xi32>
    %reduce_sum3A_340 = arith.constant dense<0> : vector<48xi32>
    %reduce_sum3A_341 = vector.multi_reduction <add>, %convert_element_type3A_339, %reduce_sum3A_340 [1] : vector<48x1024xi32> to vector<48xi32>
    %broadcast_in_dim3A_342 = vector.shape_cast %reduce_sum3A_341 : vector<48xi32> to vector<48x1xi32>
    %ge3A_343 = arith.constant 84 : i32
    %ge3A_344 = vector.broadcast %ge3A_343 : i32 to vector<48x1xi32>
    %ge3A_345 = arith.cmpi sge, %broadcast_in_dim3A_342, %ge3A_344 : vector<48x1xi32>
    %select_n3A_346 = arith.select %ge3A_345, %or3A_336, %select_n3A_333 : vector<48x1xi1>, vector<48x1xi32>
    %or3A_347 = arith.constant 32 : i32
    %or3A_348 = vector.broadcast %or3A_347 : i32 to vector<48x1xi32>
    %or3A_349 = arith.ori %select_n3A_346, %or3A_348 : vector<48x1xi32>
    %ge3A_350 = vector.broadcast %or3A_349 : vector<48x1xi32> to vector<48x1024xi32>
    %ge3A_351 = arith.cmpi uge, %select_n3A, %ge3A_350 : vector<48x1024xi32>
    %convert_element_type3A_352 = arith.extui %ge3A_351 : vector<48x1024xi1> to vector<48x1024xi32>
    %reduce_sum3A_353 = arith.constant dense<0> : vector<48xi32>
    %reduce_sum3A_354 = vector.multi_reduction <add>, %convert_element_type3A_352, %reduce_sum3A_353 [1] : vector<48x1024xi32> to vector<48xi32>
    %broadcast_in_dim3A_355 = vector.shape_cast %reduce_sum3A_354 : vector<48xi32> to vector<48x1xi32>
    %ge3A_356 = arith.constant 84 : i32
    %ge3A_357 = vector.broadcast %ge3A_356 : i32 to vector<48x1xi32>
    %ge3A_358 = arith.cmpi sge, %broadcast_in_dim3A_355, %ge3A_357 : vector<48x1xi32>
    %select_n3A_359 = arith.select %ge3A_358, %or3A_349, %select_n3A_346 : vector<48x1xi1>, vector<48x1xi32>
    %or3A_360 = arith.constant 16 : i32
    %or3A_361 = vector.broadcast %or3A_360 : i32 to vector<48x1xi32>
    %or3A_362 = arith.ori %select_n3A_359, %or3A_361 : vector<48x1xi32>
    %ge3A_363 = vector.broadcast %or3A_362 : vector<48x1xi32> to vector<48x1024xi32>
    %ge3A_364 = arith.cmpi uge, %select_n3A, %ge3A_363 : vector<48x1024xi32>
    %convert_element_type3A_365 = arith.extui %ge3A_364 : vector<48x1024xi1> to vector<48x1024xi32>
    %reduce_sum3A_366 = arith.constant dense<0> : vector<48xi32>
    %reduce_sum3A_367 = vector.multi_reduction <add>, %convert_element_type3A_365, %reduce_sum3A_366 [1] : vector<48x1024xi32> to vector<48xi32>
    %broadcast_in_dim3A_368 = vector.shape_cast %reduce_sum3A_367 : vector<48xi32> to vector<48x1xi32>
    %ge3A_369 = arith.constant 84 : i32
    %ge3A_370 = vector.broadcast %ge3A_369 : i32 to vector<48x1xi32>
    %ge3A_371 = arith.cmpi sge, %broadcast_in_dim3A_368, %ge3A_370 : vector<48x1xi32>
    %select_n3A_372 = arith.select %ge3A_371, %or3A_362, %select_n3A_359 : vector<48x1xi1>, vector<48x1xi32>
    %or3A_373 = arith.constant 8 : i32
    %or3A_374 = vector.broadcast %or3A_373 : i32 to vector<48x1xi32>
    %or3A_375 = arith.ori %select_n3A_372, %or3A_374 : vector<48x1xi32>
    %ge3A_376 = vector.broadcast %or3A_375 : vector<48x1xi32> to vector<48x1024xi32>
    %ge3A_377 = arith.cmpi uge, %select_n3A, %ge3A_376 : vector<48x1024xi32>
    %convert_element_type3A_378 = arith.extui %ge3A_377 : vector<48x1024xi1> to vector<48x1024xi32>
    %reduce_sum3A_379 = arith.constant dense<0> : vector<48xi32>
    %reduce_sum3A_380 = vector.multi_reduction <add>, %convert_element_type3A_378, %reduce_sum3A_379 [1] : vector<48x1024xi32> to vector<48xi32>
    %broadcast_in_dim3A_381 = vector.shape_cast %reduce_sum3A_380 : vector<48xi32> to vector<48x1xi32>
    %ge3A_382 = arith.constant 84 : i32
    %ge3A_383 = vector.broadcast %ge3A_382 : i32 to vector<48x1xi32>
    %ge3A_384 = arith.cmpi sge, %broadcast_in_dim3A_381, %ge3A_383 : vector<48x1xi32>
    %select_n3A_385 = arith.select %ge3A_384, %or3A_375, %select_n3A_372 : vector<48x1xi1>, vector<48x1xi32>
    %or3A_386 = arith.constant 4 : i32
    %or3A_387 = vector.broadcast %or3A_386 : i32 to vector<48x1xi32>
    %or3A_388 = arith.ori %select_n3A_385, %or3A_387 : vector<48x1xi32>
    %ge3A_389 = vector.broadcast %or3A_388 : vector<48x1xi32> to vector<48x1024xi32>
    %ge3A_390 = arith.cmpi uge, %select_n3A, %ge3A_389 : vector<48x1024xi32>
    %convert_element_type3A_391 = arith.extui %ge3A_390 : vector<48x1024xi1> to vector<48x1024xi32>
    %reduce_sum3A_392 = arith.constant dense<0> : vector<48xi32>
    %reduce_sum3A_393 = vector.multi_reduction <add>, %convert_element_type3A_391, %reduce_sum3A_392 [1] : vector<48x1024xi32> to vector<48xi32>
    %broadcast_in_dim3A_394 = vector.shape_cast %reduce_sum3A_393 : vector<48xi32> to vector<48x1xi32>
    %ge3A_395 = arith.constant 84 : i32
    %ge3A_396 = vector.broadcast %ge3A_395 : i32 to vector<48x1xi32>
    %ge3A_397 = arith.cmpi sge, %broadcast_in_dim3A_394, %ge3A_396 : vector<48x1xi32>
    %select_n3A_398 = arith.select %ge3A_397, %or3A_388, %select_n3A_385 : vector<48x1xi1>, vector<48x1xi32>
    %or3A_399 = arith.constant 2 : i32
    %or3A_400 = vector.broadcast %or3A_399 : i32 to vector<48x1xi32>
    %or3A_401 = arith.ori %select_n3A_398, %or3A_400 : vector<48x1xi32>
    %ge3A_402 = vector.broadcast %or3A_401 : vector<48x1xi32> to vector<48x1024xi32>
    %ge3A_403 = arith.cmpi uge, %select_n3A, %ge3A_402 : vector<48x1024xi32>
    %convert_element_type3A_404 = arith.extui %ge3A_403 : vector<48x1024xi1> to vector<48x1024xi32>
    %reduce_sum3A_405 = arith.constant dense<0> : vector<48xi32>
    %reduce_sum3A_406 = vector.multi_reduction <add>, %convert_element_type3A_404, %reduce_sum3A_405 [1] : vector<48x1024xi32> to vector<48xi32>
    %broadcast_in_dim3A_407 = vector.shape_cast %reduce_sum3A_406 : vector<48xi32> to vector<48x1xi32>
    %ge3A_408 = arith.constant 84 : i32
    %ge3A_409 = vector.broadcast %ge3A_408 : i32 to vector<48x1xi32>
    %ge3A_410 = arith.cmpi sge, %broadcast_in_dim3A_407, %ge3A_409 : vector<48x1xi32>
    %select_n3A_411 = arith.select %ge3A_410, %or3A_401, %select_n3A_398 : vector<48x1xi1>, vector<48x1xi32>
    %or3A_412 = arith.constant 1 : i32
    %or3A_413 = vector.broadcast %or3A_412 : i32 to vector<48x1xi32>
    %or3A_414 = arith.ori %select_n3A_411, %or3A_413 : vector<48x1xi32>
    %ge3A_415 = vector.broadcast %or3A_414 : vector<48x1xi32> to vector<48x1024xi32>
    %ge3A_416 = arith.cmpi uge, %select_n3A, %ge3A_415 : vector<48x1024xi32>
    %convert_element_type3A_417 = arith.extui %ge3A_416 : vector<48x1024xi1> to vector<48x1024xi32>
    %reduce_sum3A_418 = arith.constant dense<0> : vector<48xi32>
    %reduce_sum3A_419 = vector.multi_reduction <add>, %convert_element_type3A_417, %reduce_sum3A_418 [1] : vector<48x1024xi32> to vector<48xi32>
    %broadcast_in_dim3A_420 = vector.shape_cast %reduce_sum3A_419 : vector<48xi32> to vector<48x1xi32>
    %ge3A_421 = arith.constant 84 : i32
    %ge3A_422 = vector.broadcast %ge3A_421 : i32 to vector<48x1xi32>
    %ge3A_423 = arith.cmpi sge, %broadcast_in_dim3A_420, %ge3A_422 : vector<48x1xi32>
    %select_n3A_424 = arith.select %ge3A_423, %or3A_414, %select_n3A_411 : vector<48x1xi1>, vector<48x1xi32>
    %gt3A_425 = vector.broadcast %select_n3A_424 : vector<48x1xi32> to vector<48x1024xi32>
    %gt3A_426 = arith.cmpi ugt, %select_n3A, %gt3A_425 : vector<48x1024xi32>
    %eq3A = vector.broadcast %select_n3A_424 : vector<48x1xi32> to vector<48x1024xi32>
    %eq3A_427 = arith.cmpi eq, %select_n3A, %eq3A : vector<48x1024xi32>
    %convert_element_type3A_428 = arith.extui %gt3A_426 : vector<48x1024xi1> to vector<48x1024xi32>
    %convert_element_type3A_429 = arith.sitofp %convert_element_type3A_428 : vector<48x1024xi32> to vector<48x1024xf32>
    %convert_element_type3A_430 = arith.truncf %convert_element_type3A_429 : vector<48x1024xf32> to vector<48x1024xbf16>
    %dot_general3A = arith.constant dense<0.000000e+00> : vector<48x1xf32>
    %dot_general3A_431 = tpu.matmul %convert_element_type3A_430, %broadcast_in_dim3A_2, %dot_general3A {dimension_numbers = #tpu.dot_dimension_numbers<[1], [0], [0], [1], [0, 0, 1, 1], [], []>, transpose_lhs_hint = false} : vector<48x1024xbf16>, vector<1024x1xbf16>, vector<48x1xf32> -> vector<48x1xf32>
    %sub3A = arith.constant 8.400000e+01 : f32
    %sub3A_432 = vector.broadcast %sub3A : f32 to vector<48x1xf32>
    %sub3A_433 = arith.subf %sub3A_432, %dot_general3A_431 : vector<48x1xf32>
    %iota3A = tpu.iota {dimensions = array<i32: 0>} : vector<1024x1024xi32>
    %iota3A_434 = tpu.iota {dimensions = array<i32: 1>} : vector<1024x1024xi32>
    %lt3A = arith.cmpi slt, %iota3A, %iota3A_434 : vector<1024x1024xi32>
    %convert_element_type3A_435 = arith.extui %lt3A : vector<1024x1024xi1> to vector<1024x1024xi32>
    %convert_element_type3A_436 = arith.sitofp %convert_element_type3A_435 : vector<1024x1024xi32> to vector<1024x1024xf32>
    %convert_element_type3A_437 = arith.truncf %convert_element_type3A_436 : vector<1024x1024xf32> to vector<1024x1024xbf16>
    %convert_element_type3A_438 = arith.extui %eq3A_427 : vector<48x1024xi1> to vector<48x1024xi32>
    %convert_element_type3A_439 = arith.sitofp %convert_element_type3A_438 : vector<48x1024xi32> to vector<48x1024xf32>
    %convert_element_type3A_440 = arith.truncf %convert_element_type3A_439 : vector<48x1024xf32> to vector<48x1024xbf16>
    %dot_general3A_441 = arith.constant dense<0.000000e+00> : vector<48x1024xf32>
    %dot_general3A_442 = tpu.matmul %convert_element_type3A_440, %convert_element_type3A_437, %dot_general3A_441 {dimension_numbers = #tpu.dot_dimension_numbers<[1], [0], [0], [1], [0, 0, 1, 1], [], []>, transpose_lhs_hint = false} : vector<48x1024xbf16>, vector<1024x1024xbf16>, vector<48x1024xf32> -> vector<48x1024xf32>
    %lt3A_443 = vector.broadcast %sub3A_433 : vector<48x1xf32> to vector<48x1024xf32>
    %lt3A_444 = arith.cmpf olt, %dot_general3A_442, %lt3A_443 : vector<48x1024xf32>
    %and3A = arith.andi %eq3A_427, %lt3A_444 : vector<48x1024xi1>
    %or3A_445 = arith.ori %gt3A_426, %and3A : vector<48x1024xi1>
    %convert_element_type3A_446 = arith.extui %or3A_445 : vector<48x1024xi1> to vector<48x1024xi32>
    %convert_element_type3A_447 = arith.sitofp %convert_element_type3A_446 : vector<48x1024xi32> to vector<48x1024xf32>
    %convert_element_type3A_448 = arith.truncf %convert_element_type3A_447 : vector<48x1024xf32> to vector<48x1024xbf16>
    %mul3A = arith.constant 0.699999988 : f32
    %mul3A_449 = vector.broadcast %mul3A : f32 to vector<48x1024xf32>
    %mul3A_450 = arith.mulf %get3A_1, %mul3A_449 : vector<48x1024xf32>
    %select_n3A_451 = arith.select %or3A_445, %get3A_1, %mul3A_450 : vector<48x1024xi1>, vector<48x1024xf32>
    %iota3A_452 = tpu.iota {dimensions = array<i32: 0>} : vector<4x48xi32>
    %iota3A_453 = tpu.iota {dimensions = array<i32: 1>} : vector<4x48xi32>
    %jit3A = arith.constant 12 : i32
    %div3A = vector.broadcast %jit3A : i32 to vector<4x48xi32>
    %div3A_454 = arith.divsi %iota3A_453, %div3A : vector<4x48xi32>
    %sign3A = arith.constant 0 : i32
    %sign3A_455 = vector.broadcast %sign3A : i32 to vector<4x48xi32>
    %sign3A_456 = arith.cmpi sgt, %iota3A_453, %sign3A_455 : vector<4x48xi32>
    %sign3A_457 = arith.extui %sign3A_456 : vector<4x48xi1> to vector<4x48xi32>
    %sign3A_458 = arith.constant 0 : i32
    %sign3A_459 = vector.broadcast %sign3A_458 : i32 to vector<4x48xi32>
    %sign3A_460 = arith.cmpi slt, %iota3A_453, %sign3A_459 : vector<4x48xi32>
    %sign3A_461 = arith.extui %sign3A_460 : vector<4x48xi1> to vector<4x48xi32>
    %sign3A_462 = arith.subi %sign3A_457, %sign3A_461 : vector<4x48xi32>
    %sign3A_463 = arith.constant 0 : i32
    %sign3A_464 = arith.cmpi sgt, %jit3A, %sign3A_463 : i32
    %sign3A_465 = arith.extui %sign3A_464 : i1 to i32
    %sign3A_466 = arith.constant 0 : i32
    %sign3A_467 = arith.cmpi slt, %jit3A, %sign3A_466 : i32
    %sign3A_468 = arith.extui %sign3A_467 : i1 to i32
    %sign3A_469 = arith.subi %sign3A_465, %sign3A_468 : i32
    %ne3A = vector.broadcast %sign3A_469 : i32 to vector<4x48xi32>
    %ne3A_470 = arith.cmpi ne, %sign3A_462, %ne3A : vector<4x48xi32>
    %rem3A = vector.broadcast %jit3A : i32 to vector<4x48xi32>
    %rem3A_471 = arith.remsi %iota3A_453, %rem3A : vector<4x48xi32>
    %ne3A_472 = arith.constant 0 : i32
    %ne3A_473 = vector.broadcast %ne3A_472 : i32 to vector<4x48xi32>
    %ne3A_474 = arith.cmpi ne, %rem3A_471, %ne3A_473 : vector<4x48xi32>
    %and3A_475 = arith.andi %ne3A_470, %ne3A_474 : vector<4x48xi1>
    %sub3A_476 = arith.constant 1 : i32
    %sub3A_477 = vector.broadcast %sub3A_476 : i32 to vector<4x48xi32>
    %sub3A_478 = arith.subi %div3A_454, %sub3A_477 : vector<4x48xi32>
    %select_n3A_479 = arith.select %and3A_475, %sub3A_478, %div3A_454 : vector<4x48xi1>, vector<4x48xi32>
    %eq3A_480 = arith.cmpi eq, %select_n3A_479, %iota3A_452 : vector<4x48xi32>
    %jit3A_481 = arith.constant 1.000000e+00 : f32
    %jit3A_482 = arith.constant 0.000000e+00 : f32
    %broadcast_in_dim3A_483 = vector.broadcast %jit3A_481 : f32 to vector<4x48xf32>
    %broadcast_in_dim3A_484 = vector.broadcast %jit3A_482 : f32 to vector<4x48xf32>
    %select_n3A_485 = arith.select %eq3A_480, %broadcast_in_dim3A_483, %broadcast_in_dim3A_484 : vector<4x48xi1>, vector<4x48xf32>
    %dot_general3A_486 = arith.constant dense<0.000000e+00> : vector<4x1024xf32>
    %dot_general3A_487 = tpu.matmul %select_n3A_485, %select_n3A_451, %dot_general3A_486 {dimension_numbers = #tpu.dot_dimension_numbers<[1], [0], [0], [1], [0, 0, 1, 1], [], []>, precision = #tpu.contract_precision<fp32>, transpose_lhs_hint = false} : vector<4x48xf32>, vector<48x1024xf32>, vector<4x1024xf32> -> vector<4x1024xf32>
    %convert_element_type3A_488 = arith.truncf %select_n3A_485 : vector<4x48xf32> to vector<4x48xbf16>
    %dot_general3A_489 = arith.constant dense<0.000000e+00> : vector<4x1024xf32>
    %dot_general3A_490 = tpu.matmul %convert_element_type3A_488, %convert_element_type3A_448, %dot_general3A_489 {dimension_numbers = #tpu.dot_dimension_numbers<[1], [0], [0], [1], [0, 0, 1, 1], [], []>, transpose_lhs_hint = false} : vector<4x48xbf16>, vector<48x1024xbf16>, vector<4x1024xf32> -> vector<4x1024xf32>
    %mul3A_491 = arith.constant 0.0833333358 : f32
    %mul3A_492 = vector.broadcast %mul3A_491 : f32 to vector<4x1024xf32>
    %mul3A_493 = arith.mulf %dot_general3A_487, %mul3A_492 : vector<4x1024xf32>
    %reduce_sum3A_494 = arith.constant dense<0.000000e+00> : vector<4xf32>
    %reduce_sum3A_495 = vector.multi_reduction <add>, %dot_general3A_487, %reduce_sum3A_494 [1] : vector<4x1024xf32> to vector<4xf32>
    %broadcast_in_dim3A_496 = vector.shape_cast %reduce_sum3A_495 : vector<4xf32> to vector<4x1xf32>
    %div3A_497 = arith.constant 1.024000e+03 : f32
    %div3A_498 = vector.broadcast %div3A_497 : f32 to vector<4x1xf32>
    %div3A_499 = arith.divf %broadcast_in_dim3A_496, %div3A_498 : vector<4x1xf32>
    %gt3A_500 = vector.broadcast %div3A_499 : vector<4x1xf32> to vector<4x1024xf32>
    %gt3A_501 = arith.cmpf ogt, %dot_general3A_487, %gt3A_500 : vector<4x1024xf32>
    %convert_element_type3A_502 = arith.extui %gt3A_501 : vector<4x1024xi1> to vector<4x1024xi32>
    %convert_element_type3A_503 = arith.sitofp %convert_element_type3A_502 : vector<4x1024xi32> to vector<4x1024xf32>
    %mul3A_504 = arith.mulf %mul3A_493, %convert_element_type3A_503 : vector<4x1024xf32>
    %iota3A_505 = tpu.iota {dimensions = array<i32: 1>} : vector<4x1024xi32>
    %reduce_max3A = arith.constant dense<0xFF800000> : vector<4xf32>
    %reduce_max3A_506 = vector.multi_reduction <maximumf>, %mul3A_504, %reduce_max3A [1] : vector<4x1024xf32> to vector<4xf32>
    %broadcast_in_dim3A_507 = vector.shape_cast %reduce_max3A_506 : vector<4xf32> to vector<4x1xf32>
    %eq3A_508 = vector.broadcast %broadcast_in_dim3A_507 : vector<4x1xf32> to vector<4x1024xf32>
    %eq3A_509 = arith.cmpf oeq, %mul3A_504, %eq3A_508 : vector<4x1024xf32>
    %jit3A_510 = arith.constant 1024 : i32
    %broadcast_in_dim3A_511 = vector.broadcast %jit3A_510 : i32 to vector<4x1024xi32>
    %select_n3A_512 = arith.select %eq3A_509, %iota3A_505, %broadcast_in_dim3A_511 : vector<4x1024xi1>, vector<4x1024xi32>
    %reduce_min3A = arith.constant dense<2147483647> : vector<4xi32>
    %reduce_min3A_513 = vector.multi_reduction <minsi>, %select_n3A_512, %reduce_min3A [1] : vector<4x1024xi32> to vector<4xi32>
    %broadcast_in_dim3A_514 = vector.shape_cast %reduce_min3A_513 : vector<4xi32> to vector<4x1xi32>
    %jit3A_515 = arith.constant 32 : i32
    %div3A_516 = vector.broadcast %jit3A_515 : i32 to vector<4x1xi32>
    %div3A_517 = arith.divsi %broadcast_in_dim3A_514, %div3A_516 : vector<4x1xi32>
    %sign3A_518 = arith.constant 0 : i32
    %sign3A_519 = vector.broadcast %sign3A_518 : i32 to vector<4x1xi32>
    %sign3A_520 = arith.cmpi sgt, %broadcast_in_dim3A_514, %sign3A_519 : vector<4x1xi32>
    %sign3A_521 = arith.extui %sign3A_520 : vector<4x1xi1> to vector<4x1xi32>
    %sign3A_522 = arith.constant 0 : i32
    %sign3A_523 = vector.broadcast %sign3A_522 : i32 to vector<4x1xi32>
    %sign3A_524 = arith.cmpi slt, %broadcast_in_dim3A_514, %sign3A_523 : vector<4x1xi32>
    %sign3A_525 = arith.extui %sign3A_524 : vector<4x1xi1> to vector<4x1xi32>
    %sign3A_526 = arith.subi %sign3A_521, %sign3A_525 : vector<4x1xi32>
    %sign3A_527 = arith.constant 0 : i32
    %sign3A_528 = arith.cmpi sgt, %jit3A_515, %sign3A_527 : i32
    %sign3A_529 = arith.extui %sign3A_528 : i1 to i32
    %sign3A_530 = arith.constant 0 : i32
    %sign3A_531 = arith.cmpi slt, %jit3A_515, %sign3A_530 : i32
    %sign3A_532 = arith.extui %sign3A_531 : i1 to i32
    %sign3A_533 = arith.subi %sign3A_529, %sign3A_532 : i32
    %ne3A_534 = vector.broadcast %sign3A_533 : i32 to vector<4x1xi32>
    %ne3A_535 = arith.cmpi ne, %sign3A_526, %ne3A_534 : vector<4x1xi32>
    %rem3A_536 = vector.broadcast %jit3A_515 : i32 to vector<4x1xi32>
    %rem3A_537 = arith.remsi %broadcast_in_dim3A_514, %rem3A_536 : vector<4x1xi32>
    %ne3A_538 = arith.constant 0 : i32
    %ne3A_539 = vector.broadcast %ne3A_538 : i32 to vector<4x1xi32>
    %ne3A_540 = arith.cmpi ne, %rem3A_537, %ne3A_539 : vector<4x1xi32>
    %and3A_541 = arith.andi %ne3A_535, %ne3A_540 : vector<4x1xi1>
    %sub3A_542 = arith.constant 1 : i32
    %sub3A_543 = vector.broadcast %sub3A_542 : i32 to vector<4x1xi32>
    %sub3A_544 = arith.subi %div3A_517, %sub3A_543 : vector<4x1xi32>
    %select_n3A_545 = arith.select %and3A_541, %sub3A_544, %div3A_517 : vector<4x1xi1>, vector<4x1xi32>
    %convert_element_type3A_546 = arith.sitofp %select_n3A_545 : vector<4x1xi32> to vector<4x1xf32>
    %jit3A_547 = arith.constant 32 : i32
    %eq3A_548 = arith.constant 0 : i32
    %eq3A_549 = arith.cmpi eq, %jit3A_547, %eq3A_548 : i32
    %jit3A_550 = arith.constant 1 : i32
    %select_n3A_551 = arith.select %eq3A_549, %jit3A_550, %jit3A_547 : i32
    %rem3A_552 = vector.broadcast %select_n3A_551 : i32 to vector<4x1xi32>
    %rem3A_553 = arith.remsi %broadcast_in_dim3A_514, %rem3A_552 : vector<4x1xi32>
    %ne3A_554 = arith.constant 0 : i32
    %ne3A_555 = vector.broadcast %ne3A_554 : i32 to vector<4x1xi32>
    %ne3A_556 = arith.cmpi ne, %rem3A_553, %ne3A_555 : vector<4x1xi32>
    %lt3A_557 = arith.constant 0 : i32
    %lt3A_558 = vector.broadcast %lt3A_557 : i32 to vector<4x1xi32>
    %lt3A_559 = arith.cmpi slt, %rem3A_553, %lt3A_558 : vector<4x1xi32>
    %lt3A_560 = arith.constant 0 : i32
    %lt3A_561 = arith.cmpi slt, %select_n3A_551, %lt3A_560 : i32
    %ne3A_562 = vector.broadcast %lt3A_561 : i1 to vector<4x1xi1>
    %ne3A_563 = vector.broadcast %ne3A_562 : vector<4x1xi1> to vector<4x1xi1>
    %ne3A_564 = arith.xori %lt3A_559, %ne3A_563 : vector<4x1xi1>
    %and3A_565 = arith.andi %ne3A_564, %ne3A_556 : vector<4x1xi1>
    %add3A = vector.broadcast %select_n3A_551 : i32 to vector<4x1xi32>
    %add3A_566 = arith.addi %rem3A_553, %add3A : vector<4x1xi32>
    %select_n3A_567 = arith.select %and3A_565, %add3A_566, %rem3A_553 : vector<4x1xi1>, vector<4x1xi32>
    %convert_element_type3A_568 = arith.sitofp %select_n3A_567 : vector<4x1xi32> to vector<4x1xf32>
    %jit3A_569 = arith.constant 32 : i32
    %div3A_570 = vector.broadcast %jit3A_569 : i32 to vector<4x1024xi32>
    %div3A_571 = arith.divsi %iota3A_505, %div3A_570 : vector<4x1024xi32>
    %sign3A_572 = arith.constant 0 : i32
    %sign3A_573 = vector.broadcast %sign3A_572 : i32 to vector<4x1024xi32>
    %sign3A_574 = arith.cmpi sgt, %iota3A_505, %sign3A_573 : vector<4x1024xi32>
    %sign3A_575 = arith.extui %sign3A_574 : vector<4x1024xi1> to vector<4x1024xi32>
    %sign3A_576 = arith.constant 0 : i32
    %sign3A_577 = vector.broadcast %sign3A_576 : i32 to vector<4x1024xi32>
    %sign3A_578 = arith.cmpi slt, %iota3A_505, %sign3A_577 : vector<4x1024xi32>
    %sign3A_579 = arith.extui %sign3A_578 : vector<4x1024xi1> to vector<4x1024xi32>
    %sign3A_580 = arith.subi %sign3A_575, %sign3A_579 : vector<4x1024xi32>
    %sign3A_581 = arith.constant 0 : i32
    %sign3A_582 = arith.cmpi sgt, %jit3A_569, %sign3A_581 : i32
    %sign3A_583 = arith.extui %sign3A_582 : i1 to i32
    %sign3A_584 = arith.constant 0 : i32
    %sign3A_585 = arith.cmpi slt, %jit3A_569, %sign3A_584 : i32
    %sign3A_586 = arith.extui %sign3A_585 : i1 to i32
    %sign3A_587 = arith.subi %sign3A_583, %sign3A_586 : i32
    %ne3A_588 = vector.broadcast %sign3A_587 : i32 to vector<4x1024xi32>
    %ne3A_589 = arith.cmpi ne, %sign3A_580, %ne3A_588 : vector<4x1024xi32>
    %rem3A_590 = vector.broadcast %jit3A_569 : i32 to vector<4x1024xi32>
    %rem3A_591 = arith.remsi %iota3A_505, %rem3A_590 : vector<4x1024xi32>
    %ne3A_592 = arith.constant 0 : i32
    %ne3A_593 = vector.broadcast %ne3A_592 : i32 to vector<4x1024xi32>
    %ne3A_594 = arith.cmpi ne, %rem3A_591, %ne3A_593 : vector<4x1024xi32>
    %and3A_595 = arith.andi %ne3A_589, %ne3A_594 : vector<4x1024xi1>
    %sub3A_596 = arith.constant 1 : i32
    %sub3A_597 = vector.broadcast %sub3A_596 : i32 to vector<4x1024xi32>
    %sub3A_598 = arith.subi %div3A_571, %sub3A_597 : vector<4x1024xi32>
    %select_n3A_599 = arith.select %and3A_595, %sub3A_598, %div3A_571 : vector<4x1024xi1>, vector<4x1024xi32>
    %convert_element_type3A_600 = arith.sitofp %select_n3A_599 : vector<4x1024xi32> to vector<4x1024xf32>
    %jit3A_601 = arith.constant 32 : i32
    %eq3A_602 = arith.constant 0 : i32
    %eq3A_603 = arith.cmpi eq, %jit3A_601, %eq3A_602 : i32
    %jit3A_604 = arith.constant 1 : i32
    %select_n3A_605 = arith.select %eq3A_603, %jit3A_604, %jit3A_601 : i32
    %rem3A_606 = vector.broadcast %select_n3A_605 : i32 to vector<4x1024xi32>
    %rem3A_607 = arith.remsi %iota3A_505, %rem3A_606 : vector<4x1024xi32>
    %ne3A_608 = arith.constant 0 : i32
    %ne3A_609 = vector.broadcast %ne3A_608 : i32 to vector<4x1024xi32>
    %ne3A_610 = arith.cmpi ne, %rem3A_607, %ne3A_609 : vector<4x1024xi32>
    %lt3A_611 = arith.constant 0 : i32
    %lt3A_612 = vector.broadcast %lt3A_611 : i32 to vector<4x1024xi32>
    %lt3A_613 = arith.cmpi slt, %rem3A_607, %lt3A_612 : vector<4x1024xi32>
    %lt3A_614 = arith.constant 0 : i32
    %lt3A_615 = arith.cmpi slt, %select_n3A_605, %lt3A_614 : i32
    %ne3A_616 = vector.broadcast %lt3A_615 : i1 to vector<4x1024xi1>
    %ne3A_617 = vector.broadcast %ne3A_616 : vector<4x1024xi1> to vector<4x1024xi1>
    %ne3A_618 = arith.xori %lt3A_613, %ne3A_617 : vector<4x1024xi1>
    %and3A_619 = arith.andi %ne3A_618, %ne3A_610 : vector<4x1024xi1>
    %add3A_620 = vector.broadcast %select_n3A_605 : i32 to vector<4x1024xi32>
    %add3A_621 = arith.addi %rem3A_607, %add3A_620 : vector<4x1024xi32>
    %select_n3A_622 = arith.select %and3A_619, %add3A_621, %rem3A_607 : vector<4x1024xi1>, vector<4x1024xi32>
    %convert_element_type3A_623 = arith.sitofp %select_n3A_622 : vector<4x1024xi32> to vector<4x1024xf32>
    %sub3A_624 = vector.broadcast %convert_element_type3A_546 : vector<4x1xf32> to vector<4x1024xf32>
    %sub3A_625 = arith.subf %convert_element_type3A_600, %sub3A_624 : vector<4x1024xf32>
    %mul3A_626 = arith.constant 3.125000e-02 : f32
    %mul3A_627 = vector.broadcast %mul3A_626 : f32 to vector<4x1024xf32>
    %mul3A_628 = arith.mulf %sub3A_625, %mul3A_627 : vector<4x1024xf32>
    %sub3A_629 = vector.broadcast %convert_element_type3A_568 : vector<4x1xf32> to vector<4x1024xf32>
    %sub3A_630 = arith.subf %convert_element_type3A_623, %sub3A_629 : vector<4x1024xf32>
    %mul3A_631 = arith.constant 3.125000e-02 : f32
    %mul3A_632 = vector.broadcast %mul3A_631 : f32 to vector<4x1024xf32>
    %mul3A_633 = arith.mulf %sub3A_630, %mul3A_632 : vector<4x1024xf32>
    %mul3A_634 = arith.mulf %mul3A_628, %mul3A_628 : vector<4x1024xf32>
    %mul3A_635 = arith.mulf %mul3A_633, %mul3A_633 : vector<4x1024xf32>
    %add3A_636 = arith.addf %mul3A_634, %mul3A_635 : vector<4x1024xf32>
    %sqrt3A = math.sqrt %add3A_636 : vector<4x1024xf32>
    %atan23A = math.atan2 %mul3A_633, %mul3A_628 : vector<4x1024xf32>
    %mul3A_637 = arith.constant 0.318309873 : f32
    %mul3A_638 = vector.broadcast %mul3A_637 : f32 to vector<4x1024xf32>
    %mul3A_639 = arith.mulf %atan23A, %mul3A_638 : vector<4x1024xf32>
    %add3A_640 = arith.constant 1.000000e+00 : f32
    %add3A_641 = vector.broadcast %add3A_640 : f32 to vector<4x1024xf32>
    %add3A_642 = arith.addf %mul3A_639, %add3A_641 : vector<4x1024xf32>
    %mul3A_643 = arith.constant 5.000000e-01 : f32
    %mul3A_644 = vector.broadcast %mul3A_643 : f32 to vector<4x1024xf32>
    %mul3A_645 = arith.mulf %add3A_642, %mul3A_644 : vector<4x1024xf32>
    %mul3A_646 = arith.mulf %mul3A_493, %sqrt3A : vector<4x1024xf32>
    %reduce_sum3A_647 = arith.constant dense<0.000000e+00> : vector<4xf32>
    %reduce_sum3A_648 = vector.multi_reduction <add>, %mul3A_646, %reduce_sum3A_647 [1] : vector<4x1024xf32> to vector<4xf32>
    %broadcast_in_dim3A_649 = vector.shape_cast %reduce_sum3A_648 : vector<4xf32> to vector<4x1xf32>
    %mul3A_650 = arith.mulf %mul3A_493, %mul3A_645 : vector<4x1024xf32>
    %reduce_sum3A_651 = arith.constant dense<0.000000e+00> : vector<4xf32>
    %reduce_sum3A_652 = vector.multi_reduction <add>, %mul3A_650, %reduce_sum3A_651 [1] : vector<4x1024xf32> to vector<4xf32>
    %broadcast_in_dim3A_653 = vector.shape_cast %reduce_sum3A_652 : vector<4xf32> to vector<4x1xf32>
    %mul3A_654 = arith.mulf %mul3A_493, %mul3A_493 : vector<4x1024xf32>
    %gt3A_655 = arith.constant 0.000000e+00 : f32
    %gt3A_656 = vector.broadcast %gt3A_655 : f32 to vector<4x1024xf32>
    %gt3A_657 = arith.cmpf ogt, %mul3A_493, %gt3A_656 : vector<4x1024xf32>
    %jit3A_658 = arith.constant 0.000000e+00 : f32
    %broadcast_in_dim3A_659 = vector.broadcast %jit3A_658 : f32 to vector<4x1024xf32>
    %select_n3A_660 = arith.select %gt3A_657, %mul3A_654, %broadcast_in_dim3A_659 : vector<4x1024xi1>, vector<4x1024xf32>
    %reduce_sum3A_661 = arith.constant dense<0.000000e+00> : vector<4xf32>
    %reduce_sum3A_662 = vector.multi_reduction <add>, %select_n3A_660, %reduce_sum3A_661 [1] : vector<4x1024xf32> to vector<4xf32>
    %broadcast_in_dim3A_663 = vector.shape_cast %reduce_sum3A_662 : vector<4xf32> to vector<4x1xf32>
    %lt3A_664 = arith.constant 0.000000e+00 : f32
    %lt3A_665 = vector.broadcast %lt3A_664 : f32 to vector<4x1024xf32>
    %lt3A_666 = arith.cmpf olt, %mul3A_493, %lt3A_665 : vector<4x1024xf32>
    %jit3A_667 = arith.constant 0.000000e+00 : f32
    %broadcast_in_dim3A_668 = vector.broadcast %jit3A_667 : f32 to vector<4x1024xf32>
    %select_n3A_669 = arith.select %lt3A_666, %mul3A_654, %broadcast_in_dim3A_668 : vector<4x1024xi1>, vector<4x1024xf32>
    %reduce_sum3A_670 = arith.constant dense<0.000000e+00> : vector<4xf32>
    %reduce_sum3A_671 = vector.multi_reduction <add>, %select_n3A_669, %reduce_sum3A_670 [1] : vector<4x1024xf32> to vector<4xf32>
    %broadcast_in_dim3A_672 = vector.shape_cast %reduce_sum3A_671 : vector<4xf32> to vector<4x1xf32>
    %get3A_673 = arith.constant 0 : index
    %get3A_674 = arith.constant 0 : index
    %get3A_675 = vector.load %arg3[%get3A_673, %get3A_674] : memref<2x512xf32, #tpu.memory_space<vmem>>, vector<2x512xf32>
    %slice3A = vector.extract_strided_slice %get3A_675 {offsets = [0, 0], sizes = [1, 512], strides = [1, 1]} : vector<2x512xf32> to vector<1x512xf32>
    %mul3A_676 = vector.broadcast %broadcast_in_dim3A_649 : vector<4x1xf32> to vector<4x512xf32>
    %mul3A_677 = vector.broadcast %slice3A : vector<1x512xf32> to vector<4x512xf32>
    %mul3A_678 = arith.mulf %mul3A_676, %mul3A_677 : vector<4x512xf32>
    %slice3A_679 = vector.extract_strided_slice %get3A_675 {offsets = [1, 0], sizes = [1, 512], strides = [1, 1]} : vector<2x512xf32> to vector<1x512xf32>
    %mul3A_680 = vector.broadcast %broadcast_in_dim3A_653 : vector<4x1xf32> to vector<4x512xf32>
    %mul3A_681 = vector.broadcast %slice3A_679 : vector<1x512xf32> to vector<4x512xf32>
    %mul3A_682 = arith.mulf %mul3A_680, %mul3A_681 : vector<4x512xf32>
    %add3A_683 = arith.addf %mul3A_678, %mul3A_682 : vector<4x512xf32>
    %gt3A_684 = arith.constant 0.000000e+00 : f32
    %gt3A_685 = vector.broadcast %gt3A_684 : f32 to vector<4x512xf32>
    %gt3A_686 = arith.cmpf ogt, %add3A_683, %gt3A_685 : vector<4x512xf32>
    %broadcast_in_dim3A_687 = vector.shape_cast %broadcast_in_dim3A_663 : vector<4x1xf32> to vector<4x1xf32>
    %broadcast_in_dim3A_688 = vector.broadcast %broadcast_in_dim3A_687 : vector<4x1xf32> to vector<4x512xf32>
    %broadcast_in_dim3A_689 = vector.shape_cast %broadcast_in_dim3A_672 : vector<4x1xf32> to vector<4x1xf32>
    %broadcast_in_dim3A_690 = vector.broadcast %broadcast_in_dim3A_689 : vector<4x1xf32> to vector<4x512xf32>
    %select_n3A_691 = arith.select %gt3A_686, %broadcast_in_dim3A_688, %broadcast_in_dim3A_690 : vector<4x512xi1>, vector<4x512xf32>
    %mul3A_692 = arith.mulf %add3A_683, %select_n3A_691 : vector<4x512xf32>
    %get3A_693 = arith.constant 0 : index
    %get3A_694 = arith.constant 0 : index
    %get3A_695 = vector.load %arg4[%get3A_693, %get3A_694] : memref<512x768xf32, #tpu.memory_space<vmem>>, vector<512x768xf32>
    %dot_general3A_696 = arith.constant dense<0.000000e+00> : vector<4x768xf32>
    %dot_general3A_697 = tpu.matmul %mul3A_692, %get3A_695, %dot_general3A_696 {dimension_numbers = #tpu.dot_dimension_numbers<[1], [0], [0], [1], [0, 0, 1, 1], [], []>, precision = #tpu.contract_precision<fp32>, transpose_lhs_hint = false} : vector<4x512xf32>, vector<512x768xf32>, vector<4x768xf32> -> vector<4x768xf32>
    %eq3A_698 = vector.broadcast %broadcast_in_dim3A_514 : vector<4x1xi32> to vector<4x1024xi32>
    %eq3A_699 = arith.cmpi eq, %iota3A_505, %eq3A_698 : vector<4x1024xi32>
    %jit3A_700 = arith.constant 0.000000e+00 : f32
    %broadcast_in_dim3A_701 = vector.broadcast %jit3A_700 : f32 to vector<4x1024xf32>
    %select_n3A_702 = arith.select %eq3A_699, %mul3A_493, %broadcast_in_dim3A_701 : vector<4x1024xi1>, vector<4x1024xf32>
    %reduce_sum3A_703 = arith.constant dense<0.000000e+00> : vector<4xf32>
    %reduce_sum3A_704 = vector.multi_reduction <add>, %select_n3A_702, %reduce_sum3A_703 [1] : vector<4x1024xf32> to vector<4xf32>
    %broadcast_in_dim3A_705 = vector.shape_cast %reduce_sum3A_704 : vector<4xf32> to vector<4x1xf32>
    %mul3A_706 = vector.broadcast %broadcast_in_dim3A_705 : vector<4x1xf32> to vector<4x768xf32>
    %mul3A_707 = arith.mulf %mul3A_706, %dot_general3A_697 : vector<4x768xf32>
    %ge3A_708 = arith.constant 0.000000e+00 : f32
    %ge3A_709 = vector.broadcast %ge3A_708 : f32 to vector<4x768xf32>
    %ge3A_710 = arith.cmpf oge, %mul3A_707, %ge3A_709 : vector<4x768xf32>
    %mul3A_711 = arith.constant 2.000000e-01 : f32
    %mul3A_712 = vector.broadcast %mul3A_711 : f32 to vector<4x768xf32>
    %mul3A_713 = arith.mulf %mul3A_712, %mul3A_707 : vector<4x768xf32>
    %select_n3A_714 = arith.select %ge3A_710, %mul3A_707, %mul3A_713 : vector<4x768xi1>, vector<4x768xf32>
    %get3A_715 = arith.constant 0 : index
    %get3A_716 = arith.constant 0 : index
    %get3A_717 = vector.load %arg2[%get3A_715, %get3A_716] : memref<4x768xf32, #tpu.memory_space<vmem>>, vector<4x768xf32>
    %add3A_718 = arith.addf %get3A_717, %select_n3A_714 : vector<4x768xf32>
    %swap3A = arith.constant 0 : index
    %swap3A_719 = arith.constant 0 : index
    %swap3A_720 = vector.load %arg5[%swap3A, %swap3A_719] : memref<4x768xf32, #tpu.memory_space<vmem>>, vector<4x768xf32>
    tpu.vector_store %arg5[%swap3A, %swap3A_719], %add3A_718 {strides = array<i32>} : memref<4x768xf32, #tpu.memory_space<vmem>>, vector<4x768xf32>,
    %shift_right_arithmetic3A = arith.constant 5 : i32
    %shift_right_arithmetic3A_721 = vector.broadcast %shift_right_arithmetic3A : i32 to vector<1024x1024xi32>
    %shift_right_arithmetic3A_722 = arith.shrsi %iota3A, %shift_right_arithmetic3A_721 : vector<1024x1024xi32>
    %shift_right_arithmetic3A_723 = arith.constant 5 : i32
    %shift_right_arithmetic3A_724 = vector.broadcast %shift_right_arithmetic3A_723 : i32 to vector<1024x1024xi32>
    %shift_right_arithmetic3A_725 = arith.shrsi %iota3A_434, %shift_right_arithmetic3A_724 : vector<1024x1024xi32>
    %sub3A_726 = arith.subi %shift_right_arithmetic3A_722, %shift_right_arithmetic3A_725 : vector<1024x1024xi32>
    %abs3A = math.absi %sub3A_726 : vector<1024x1024xi32>
    %and3A_727 = arith.constant 31 : i32
    %and3A_728 = vector.broadcast %and3A_727 : i32 to vector<1024x1024xi32>
    %and3A_729 = arith.andi %iota3A, %and3A_728 : vector<1024x1024xi32>
    %and3A_730 = arith.constant 31 : i32
    %and3A_731 = vector.broadcast %and3A_730 : i32 to vector<1024x1024xi32>
    %and3A_732 = arith.andi %iota3A_434, %and3A_731 : vector<1024x1024xi32>
    %sub3A_733 = arith.subi %and3A_729, %and3A_732 : vector<1024x1024xi32>
    %abs3A_734 = math.absi %sub3A_733 : vector<1024x1024xi32>
    %le3A = arith.constant 1 : i32
    %le3A_735 = vector.broadcast %le3A : i32 to vector<1024x1024xi32>
    %le3A_736 = arith.cmpi sle, %abs3A, %le3A_735 : vector<1024x1024xi32>
    %le3A_737 = arith.constant 1 : i32
    %le3A_738 = vector.broadcast %le3A_737 : i32 to vector<1024x1024xi32>
    %le3A_739 = arith.cmpi sle, %abs3A_734, %le3A_738 : vector<1024x1024xi32>
    %and3A_740 = arith.andi %le3A_736, %le3A_739 : vector<1024x1024xi1>
    %sub3A_741 = arith.constant 2 : i32
    %sub3A_742 = vector.broadcast %sub3A_741 : i32 to vector<1024x1024xi32>
    %sub3A_743 = arith.subi %sub3A_742, %abs3A : vector<1024x1024xi32>
    %sub3A_744 = arith.constant 2 : i32
    %sub3A_745 = vector.broadcast %sub3A_744 : i32 to vector<1024x1024xi32>
    %sub3A_746 = arith.subi %sub3A_745, %abs3A_734 : vector<1024x1024xi32>
    %mul3A_747 = arith.muli %sub3A_743, %sub3A_746 : vector<1024x1024xi32>
    %jit3A_748 = arith.constant 0 : i32
    %broadcast_in_dim3A_749 = vector.broadcast %jit3A_748 : i32 to vector<1024x1024xi32>
    %select_n3A_750 = arith.select %and3A_740, %mul3A_747, %broadcast_in_dim3A_749 : vector<1024x1024xi1>, vector<1024x1024xi32>
    %convert_element_type3A_751 = arith.sitofp %select_n3A_750 : vector<1024x1024xi32> to vector<1024x1024xbf16>
    %convert_element_type3A_752 = arith.truncf %dot_general3A_490 : vector<4x1024xf32> to vector<4x1024xbf16>
    %dot_general3A_753 = arith.constant dense<0.000000e+00> : vector<4x1024xf32>
    %dot_general3A_754 = tpu.matmul %convert_element_type3A_752, %convert_element_type3A_751, %dot_general3A_753 {dimension_numbers = #tpu.dot_dimension_numbers<[1], [0], [0], [1], [0, 0, 1, 1], [], []>, transpose_lhs_hint = false} : vector<4x1024xbf16>, vector<1024x1024xbf16>, vector<4x1024xf32> -> vector<4x1024xf32>
    %convert_element_type3A_755 = arith.fptosi %dot_general3A_754 : vector<4x1024xf32> to vector<4x1024xi32>
    %mul3A_756 = arith.constant 1024 : i32
    %mul3A_757 = vector.broadcast %mul3A_756 : i32 to vector<4x1024xi32>
    %mul3A_758 = arith.muli %convert_element_type3A_755, %mul3A_757 : vector<4x1024xi32>
    %sub3A_759 = arith.constant 1023 : i32
    %sub3A_760 = vector.broadcast %sub3A_759 : i32 to vector<4x1024xi32>
    %sub3A_761 = arith.subi %sub3A_760, %iota3A_505 : vector<4x1024xi32>
    %add3A_762 = arith.addi %mul3A_758, %sub3A_761 : vector<4x1024xi32>
    %get3A_763 = arith.constant 0 : index
    %get3A_764 = arith.constant 0 : index
    %get3A_765 = memref.load %arg0[%get3A_763, %get3A_764] : memref<1x1xi32, #tpu.memory_space<smem>>
    %min3A = arith.constant 42 : i32
    %min3A_766 = arith.minsi %min3A, %get3A_765 : i32
    %iota3A_767 = tpu.iota {dimensions = array<i32: 1>} : vector<1x64xi32>
    %slice3A_768 = vector.extract_strided_slice %iota3A_505 {offsets = [0, 0], sizes = [1, 1024], strides = [1, 1]} : vector<4x1024xi32> to vector<1x1024xi32>
    %add3A_769 = arith.constant 1 : i32
    %add3A_770 = vector.broadcast %add3A_769 : i32 to vector<1x1024xi32>
    %add3A_771 = arith.addi %slice3A_768, %add3A_770 : vector<1x1024xi32>
    %convert_element_type3A_772 = arith.sitofp %add3A_771 : vector<1x1024xi32> to vector<1x1024xf32>
    %slice3A_773 = vector.extract_strided_slice %add3A_762 {offsets = [0, 0], sizes = [1, 1024], strides = [1, 1]} : vector<4x1024xi32> to vector<1x1024xi32>
    %reshape3A = vector.shape_cast %slice3A_773 : vector<1x1024xi32> to vector<1024x1xi32>
    %gt3A_774 = vector.broadcast %slice3A_773 : vector<1x1024xi32> to vector<1024x1024xi32>
    %gt3A_775 = vector.broadcast %reshape3A : vector<1024x1xi32> to vector<1024x1024xi32>
    %gt3A_776 = arith.cmpi sgt, %gt3A_774, %gt3A_775 : vector<1024x1024xi32>
    %convert_element_type3A_777 = arith.extui %gt3A_776 : vector<1024x1024xi1> to vector<1024x1024xi32>
    %convert_element_type3A_778 = arith.sitofp %convert_element_type3A_777 : vector<1024x1024xi32> to vector<1024x1024xf32>
    %convert_element_type3A_779 = arith.truncf %convert_element_type3A_778 : vector<1024x1024xf32> to vector<1024x1024xbf16>
    %dot_general3A_780 = arith.constant dense<0.000000e+00> : vector<1024x1xf32>
    %dot_general3A_781 = tpu.matmul %convert_element_type3A_779, %broadcast_in_dim3A_2, %dot_general3A_780 {dimension_numbers = #tpu.dot_dimension_numbers<[1], [0], [0], [1], [0, 0, 1, 1], [], []>, transpose_lhs_hint = false} : vector<1024x1024xbf16>, vector<1024x1xbf16>, vector<1024x1xf32> -> vector<1024x1xf32>
    %convert_element_type3A_782 = arith.fptosi %dot_general3A_781 : vector<1024x1xf32> to vector<1024x1xi32>
    %eq3A_783 = vector.broadcast %convert_element_type3A_782 : vector<1024x1xi32> to vector<1024x64xi32>
    %eq3A_784 = vector.broadcast %iota3A_767 : vector<1x64xi32> to vector<1024x64xi32>
    %eq3A_785 = arith.cmpi eq, %eq3A_783, %eq3A_784 : vector<1024x64xi32>
    %convert_element_type3A_786 = arith.extui %eq3A_785 : vector<1024x64xi1> to vector<1024x64xi32>
    %convert_element_type3A_787 = arith.sitofp %convert_element_type3A_786 : vector<1024x64xi32> to vector<1024x64xf32>
    %dot_general3A_788 = arith.constant dense<0.000000e+00> : vector<1x64xf32>
    %dot_general3A_789 = tpu.matmul %convert_element_type3A_772, %convert_element_type3A_787, %dot_general3A_788 {dimension_numbers = #tpu.dot_dimension_numbers<[1], [0], [0], [1], [0, 0, 1, 1], [], []>, precision = #tpu.contract_precision<fp32>, transpose_lhs_hint = false} : vector<1x1024xf32>, vector<1024x64xf32>, vector<1x64xf32> -> vector<1x64xf32>
    %lt3A_790 = vector.broadcast %min3A_766 : i32 to vector<1x64xi32>
    %lt3A_791 = arith.cmpi slt, %iota3A_767, %lt3A_790 : vector<1x64xi32>
    %convert_element_type3A_792 = arith.fptosi %dot_general3A_789 : vector<1x64xf32> to vector<1x64xi32>
    %jit3A_793 = arith.constant 0 : i32
    %broadcast_in_dim3A_794 = vector.broadcast %jit3A_793 : i32 to vector<1x64xi32>
    %select_n3A_795 = arith.select %lt3A_791, %convert_element_type3A_792, %broadcast_in_dim3A_794 : vector<1x64xi1>, vector<1x64xi32>
    %swap3A_796 = arith.constant 0 : index
    %swap3A_797 = arith.constant 0 : index
    %swap3A_798 = vector.load %arg6[%swap3A_796, %swap3A_797] : memref<4x64xi32, #tpu.memory_space<vmem>>, vector<1x64xi32>
    tpu.vector_store %arg6[%swap3A_796, %swap3A_797], %select_n3A_795 {strides = array<i32>} : memref<4x64xi32, #tpu.memory_space<vmem>>, vector<1x64xi32>,
    %add3A_799 = arith.constant 0 : i32
    %add3A_800 = vector.broadcast %add3A_799 : i32 to vector<1x64xi32>
    %add3A_801 = arith.addi %select_n3A_795, %add3A_800 : vector<1x64xi32>
    %swap3A_802 = arith.constant 0 : index
    %swap3A_803 = arith.constant 0 : index
    %swap3A_804 = vector.load %arg7[%swap3A_802, %swap3A_803] : memref<4x64xi32, #tpu.memory_space<vmem>>, vector<1x64xi32>
    tpu.vector_store %arg7[%swap3A_802, %swap3A_803], %add3A_801 {strides = array<i32>} : memref<4x64xi32, #tpu.memory_space<vmem>>, vector<1x64xi32>,
    %slice3A_805 = vector.extract_strided_slice %add3A_762 {offsets = [1, 0], sizes = [1, 1024], strides = [1, 1]} : vector<4x1024xi32> to vector<1x1024xi32>
    %reshape3A_806 = vector.shape_cast %slice3A_805 : vector<1x1024xi32> to vector<1024x1xi32>
    %gt3A_807 = vector.broadcast %slice3A_805 : vector<1x1024xi32> to vector<1024x1024xi32>
    %gt3A_808 = vector.broadcast %reshape3A_806 : vector<1024x1xi32> to vector<1024x1024xi32>
    %gt3A_809 = arith.cmpi sgt, %gt3A_807, %gt3A_808 : vector<1024x1024xi32>
    %convert_element_type3A_810 = arith.extui %gt3A_809 : vector<1024x1024xi1> to vector<1024x1024xi32>
    %convert_element_type3A_811 = arith.sitofp %convert_element_type3A_810 : vector<1024x1024xi32> to vector<1024x1024xf32>
    %convert_element_type3A_812 = arith.truncf %convert_element_type3A_811 : vector<1024x1024xf32> to vector<1024x1024xbf16>
    %dot_general3A_813 = arith.constant dense<0.000000e+00> : vector<1024x1xf32>
    %dot_general3A_814 = tpu.matmul %convert_element_type3A_812, %broadcast_in_dim3A_2, %dot_general3A_813 {dimension_numbers = #tpu.dot_dimension_numbers<[1], [0], [0], [1], [0, 0, 1, 1], [], []>, transpose_lhs_hint = false} : vector<1024x1024xbf16>, vector<1024x1xbf16>, vector<1024x1xf32> -> vector<1024x1xf32>
    %convert_element_type3A_815 = arith.fptosi %dot_general3A_814 : vector<1024x1xf32> to vector<1024x1xi32>
    %eq3A_816 = vector.broadcast %convert_element_type3A_815 : vector<1024x1xi32> to vector<1024x64xi32>
    %eq3A_817 = vector.broadcast %iota3A_767 : vector<1x64xi32> to vector<1024x64xi32>
    %eq3A_818 = arith.cmpi eq, %eq3A_816, %eq3A_817 : vector<1024x64xi32>
    %convert_element_type3A_819 = arith.extui %eq3A_818 : vector<1024x64xi1> to vector<1024x64xi32>
    %convert_element_type3A_820 = arith.sitofp %convert_element_type3A_819 : vector<1024x64xi32> to vector<1024x64xf32>
    %dot_general3A_821 = arith.constant dense<0.000000e+00> : vector<1x64xf32>
    %dot_general3A_822 = tpu.matmul %convert_element_type3A_772, %convert_element_type3A_820, %dot_general3A_821 {dimension_numbers = #tpu.dot_dimension_numbers<[1], [0], [0], [1], [0, 0, 1, 1], [], []>, precision = #tpu.contract_precision<fp32>, transpose_lhs_hint = false} : vector<1x1024xf32>, vector<1024x64xf32>, vector<1x64xf32> -> vector<1x64xf32>
    %lt3A_823 = vector.broadcast %min3A_766 : i32 to vector<1x64xi32>
    %lt3A_824 = arith.cmpi slt, %iota3A_767, %lt3A_823 : vector<1x64xi32>
    %convert_element_type3A_825 = arith.fptosi %dot_general3A_822 : vector<1x64xf32> to vector<1x64xi32>
    %jit3A_826 = arith.constant 0 : i32
    %broadcast_in_dim3A_827 = vector.broadcast %jit3A_826 : i32 to vector<1x64xi32>
    %select_n3A_828 = arith.select %lt3A_824, %convert_element_type3A_825, %broadcast_in_dim3A_827 : vector<1x64xi1>, vector<1x64xi32>
    %swap3A_829 = arith.constant 1 : index
    %swap3A_830 = arith.constant 0 : index
    %swap3A_831 = vector.load %arg6[%swap3A_829, %swap3A_830] : memref<4x64xi32, #tpu.memory_space<vmem>>, vector<1x64xi32>
    tpu.vector_store %arg6[%swap3A_829, %swap3A_830], %select_n3A_828 {strides = array<i32>} : memref<4x64xi32, #tpu.memory_space<vmem>>, vector<1x64xi32>,
    %add3A_832 = arith.constant 1025 : i32
    %add3A_833 = vector.broadcast %add3A_832 : i32 to vector<1x64xi32>
    %add3A_834 = arith.addi %select_n3A_828, %add3A_833 : vector<1x64xi32>
    %swap3A_835 = arith.constant 1 : index
    %swap3A_836 = arith.constant 0 : index
    %swap3A_837 = vector.load %arg7[%swap3A_835, %swap3A_836] : memref<4x64xi32, #tpu.memory_space<vmem>>, vector<1x64xi32>
    tpu.vector_store %arg7[%swap3A_835, %swap3A_836], %add3A_834 {strides = array<i32>} : memref<4x64xi32, #tpu.memory_space<vmem>>, vector<1x64xi32>,
    %slice3A_838 = vector.extract_strided_slice %add3A_762 {offsets = [2, 0], sizes = [1, 1024], strides = [1, 1]} : vector<4x1024xi32> to vector<1x1024xi32>
    %reshape3A_839 = vector.shape_cast %slice3A_838 : vector<1x1024xi32> to vector<1024x1xi32>
    %gt3A_840 = vector.broadcast %slice3A_838 : vector<1x1024xi32> to vector<1024x1024xi32>
    %gt3A_841 = vector.broadcast %reshape3A_839 : vector<1024x1xi32> to vector<1024x1024xi32>
    %gt3A_842 = arith.cmpi sgt, %gt3A_840, %gt3A_841 : vector<1024x1024xi32>
    %convert_element_type3A_843 = arith.extui %gt3A_842 : vector<1024x1024xi1> to vector<1024x1024xi32>
    %convert_element_type3A_844 = arith.sitofp %convert_element_type3A_843 : vector<1024x1024xi32> to vector<1024x1024xf32>
    %convert_element_type3A_845 = arith.truncf %convert_element_type3A_844 : vector<1024x1024xf32> to vector<1024x1024xbf16>
    %dot_general3A_846 = arith.constant dense<0.000000e+00> : vector<1024x1xf32>
    %dot_general3A_847 = tpu.matmul %convert_element_type3A_845, %broadcast_in_dim3A_2, %dot_general3A_846 {dimension_numbers = #tpu.dot_dimension_numbers<[1], [0], [0], [1], [0, 0, 1, 1], [], []>, transpose_lhs_hint = false} : vector<1024x1024xbf16>, vector<1024x1xbf16>, vector<1024x1xf32> -> vector<1024x1xf32>
    %convert_element_type3A_848 = arith.fptosi %dot_general3A_847 : vector<1024x1xf32> to vector<1024x1xi32>
    %eq3A_849 = vector.broadcast %convert_element_type3A_848 : vector<1024x1xi32> to vector<1024x64xi32>
    %eq3A_850 = vector.broadcast %iota3A_767 : vector<1x64xi32> to vector<1024x64xi32>
    %eq3A_851 = arith.cmpi eq, %eq3A_849, %eq3A_850 : vector<1024x64xi32>
    %convert_element_type3A_852 = arith.extui %eq3A_851 : vector<1024x64xi1> to vector<1024x64xi32>
    %convert_element_type3A_853 = arith.sitofp %convert_element_type3A_852 : vector<1024x64xi32> to vector<1024x64xf32>
    %dot_general3A_854 = arith.constant dense<0.000000e+00> : vector<1x64xf32>
    %dot_general3A_855 = tpu.matmul %convert_element_type3A_772, %convert_element_type3A_853, %dot_general3A_854 {dimension_numbers = #tpu.dot_dimension_numbers<[1], [0], [0], [1], [0, 0, 1, 1], [], []>, precision = #tpu.contract_precision<fp32>, transpose_lhs_hint = false} : vector<1x1024xf32>, vector<1024x64xf32>, vector<1x64xf32> -> vector<1x64xf32>
    %lt3A_856 = vector.broadcast %min3A_766 : i32 to vector<1x64xi32>
    %lt3A_857 = arith.cmpi slt, %iota3A_767, %lt3A_856 : vector<1x64xi32>
    %convert_element_type3A_858 = arith.fptosi %dot_general3A_855 : vector<1x64xf32> to vector<1x64xi32>
    %jit3A_859 = arith.constant 0 : i32
    %broadcast_in_dim3A_860 = vector.broadcast %jit3A_859 : i32 to vector<1x64xi32>
    %select_n3A_861 = arith.select %lt3A_857, %convert_element_type3A_858, %broadcast_in_dim3A_860 : vector<1x64xi1>, vector<1x64xi32>
    %swap3A_862 = arith.constant 2 : index
    %swap3A_863 = arith.constant 0 : index
    %swap3A_864 = vector.load %arg6[%swap3A_862, %swap3A_863] : memref<4x64xi32, #tpu.memory_space<vmem>>, vector<1x64xi32>
    tpu.vector_store %arg6[%swap3A_862, %swap3A_863], %select_n3A_861 {strides = array<i32>} : memref<4x64xi32, #tpu.memory_space<vmem>>, vector<1x64xi32>,
    %add3A_865 = arith.constant 2050 : i32
    %add3A_866 = vector.broadcast %add3A_865 : i32 to vector<1x64xi32>
    %add3A_867 = arith.addi %select_n3A_861, %add3A_866 : vector<1x64xi32>
    %swap3A_868 = arith.constant 2 : index
    %swap3A_869 = arith.constant 0 : index
    %swap3A_870 = vector.load %arg7[%swap3A_868, %swap3A_869] : memref<4x64xi32, #tpu.memory_space<vmem>>, vector<1x64xi32>
    tpu.vector_store %arg7[%swap3A_868, %swap3A_869], %add3A_867 {strides = array<i32>} : memref<4x64xi32, #tpu.memory_space<vmem>>, vector<1x64xi32>,
    %slice3A_871 = vector.extract_strided_slice %add3A_762 {offsets = [3, 0], sizes = [1, 1024], strides = [1, 1]} : vector<4x1024xi32> to vector<1x1024xi32>
    %reshape3A_872 = vector.shape_cast %slice3A_871 : vector<1x1024xi32> to vector<1024x1xi32>
    %gt3A_873 = vector.broadcast %slice3A_871 : vector<1x1024xi32> to vector<1024x1024xi32>
    %gt3A_874 = vector.broadcast %reshape3A_872 : vector<1024x1xi32> to vector<1024x1024xi32>
    %gt3A_875 = arith.cmpi sgt, %gt3A_873, %gt3A_874 : vector<1024x1024xi32>
    %convert_element_type3A_876 = arith.extui %gt3A_875 : vector<1024x1024xi1> to vector<1024x1024xi32>
    %convert_element_type3A_877 = arith.sitofp %convert_element_type3A_876 : vector<1024x1024xi32> to vector<1024x1024xf32>
    %convert_element_type3A_878 = arith.truncf %convert_element_type3A_877 : vector<1024x1024xf32> to vector<1024x1024xbf16>
    %dot_general3A_879 = arith.constant dense<0.000000e+00> : vector<1024x1xf32>
    %dot_general3A_880 = tpu.matmul %convert_element_type3A_878, %broadcast_in_dim3A_2, %dot_general3A_879 {dimension_numbers = #tpu.dot_dimension_numbers<[1], [0], [0], [1], [0, 0, 1, 1], [], []>, transpose_lhs_hint = false} : vector<1024x1024xbf16>, vector<1024x1xbf16>, vector<1024x1xf32> -> vector<1024x1xf32>
    %convert_element_type3A_881 = arith.fptosi %dot_general3A_880 : vector<1024x1xf32> to vector<1024x1xi32>
    %eq3A_882 = vector.broadcast %convert_element_type3A_881 : vector<1024x1xi32> to vector<1024x64xi32>
    %eq3A_883 = vector.broadcast %iota3A_767 : vector<1x64xi32> to vector<1024x64xi32>
    %eq3A_884 = arith.cmpi eq, %eq3A_882, %eq3A_883 : vector<1024x64xi32>
    %convert_element_type3A_885 = arith.extui %eq3A_884 : vector<1024x64xi1> to vector<1024x64xi32>
    %convert_element_type3A_886 = arith.sitofp %convert_element_type3A_885 : vector<1024x64xi32> to vector<1024x64xf32>
    %dot_general3A_887 = arith.constant dense<0.000000e+00> : vector<1x64xf32>
    %dot_general3A_888 = tpu.matmul %convert_element_type3A_772, %convert_element_type3A_886, %dot_general3A_887 {dimension_numbers = #tpu.dot_dimension_numbers<[1], [0], [0], [1], [0, 0, 1, 1], [], []>, precision = #tpu.contract_precision<fp32>, transpose_lhs_hint = false} : vector<1x1024xf32>, vector<1024x64xf32>, vector<1x64xf32> -> vector<1x64xf32>
    %lt3A_889 = vector.broadcast %min3A_766 : i32 to vector<1x64xi32>
    %lt3A_890 = arith.cmpi slt, %iota3A_767, %lt3A_889 : vector<1x64xi32>
    %convert_element_type3A_891 = arith.fptosi %dot_general3A_888 : vector<1x64xf32> to vector<1x64xi32>
    %jit3A_892 = arith.constant 0 : i32
    %broadcast_in_dim3A_893 = vector.broadcast %jit3A_892 : i32 to vector<1x64xi32>
    %select_n3A_894 = arith.select %lt3A_890, %convert_element_type3A_891, %broadcast_in_dim3A_893 : vector<1x64xi1>, vector<1x64xi32>
    %swap3A_895 = arith.constant 3 : index
    %swap3A_896 = arith.constant 0 : index
    %swap3A_897 = vector.load %arg6[%swap3A_895, %swap3A_896] : memref<4x64xi32, #tpu.memory_space<vmem>>, vector<1x64xi32>
    tpu.vector_store %arg6[%swap3A_895, %swap3A_896], %select_n3A_894 {strides = array<i32>} : memref<4x64xi32, #tpu.memory_space<vmem>>, vector<1x64xi32>,
    %add3A_898 = arith.constant 3075 : i32
    %add3A_899 = vector.broadcast %add3A_898 : i32 to vector<1x64xi32>
    %add3A_900 = arith.addi %select_n3A_894, %add3A_899 : vector<1x64xi32>
    %swap3A_901 = arith.constant 3 : index
    %swap3A_902 = arith.constant 0 : index
    %swap3A_903 = vector.load %arg7[%swap3A_901, %swap3A_902] : memref<4x64xi32, #tpu.memory_space<vmem>>, vector<1x64xi32>
    tpu.vector_store %arg7[%swap3A_901, %swap3A_902], %add3A_900 {strides = array<i32>} : memref<4x64xi32, #tpu.memory_space<vmem>>, vector<1x64xi32>,
    return
  }
}

</mosaic_0001>

<sc_bundles>
// kernel: kernel.5.cloned.1.call-start
scs
__scs_entry_jumppad:
0x0: {  	(pc) =	sbr.rel $0x88, $3  }
0x1: {  	(tag) =	ssettag $0x0;
	lr =	simm.s32 $0x1  }
0x2: {  	[smem:$0x3F9C] =	sst lr;
	_ =	strace $0xD0000000  }
0x3: {  	_ = 	snop  }
0x4: {  	_ = 	snop  }
0x5: {  	_ = 	snop  }
0x6: {  	_ = 	snop  }
0x7: {  	_ = 	snop  }
__scs_overlays_trampoline_lowered:
0x8: {  	[smem:$0x3FAB] =	sst s0  }
0x9: {  	[smem:$0x3FAC] =	sst s1  }
0xa: {  	[smem:$0x3FAD] =	sst s2  }
0xb: {  	[smem:$0x3FAE] =	sst s3  }
0xc: {  	[smem:$0x3FAF] =	sst s4  }
0xd: {  	[smem:$0x3FB0] =	sst s5  }
0xe: {  	[smem:$0x3FB1] =	sst s6  }
0xf: {  	[smem:$0x3FB2] =	sst s7  }
0x10: {  	[smem:$0x3FB3] =	sst s8  }
0x11: {  	[smem:$0x3FB4] =	sst s9;
	s0 =	simm.s32 @!p0 $0x0  }
0x12: {  	s1 =	sld [smem:$0x3F9A];
	s0 =	simm.s32 @p0 $0x1  }
0x13: {  	[smem:$0x3FB5] =	sst s0;
	s0 =	simm.s32 @!p1 $0x0  }
0x14: {  	s2 =	sld [smem:$0x3F99];
	s0 =	simm.s32 @p1 $0x1  }
0x15: {  	[smem:$0x3FB6] =	sst s0;
	s0 =	simm.s32 @!p2 $0x0  }
0x16: {  	s3 =	sld [smem:$0x3FDB];
	s0 =	simm.s32 @p2 $0x1  }
0x17: {  	s4 =	simm.s32 $0x1BF5;
	[smem:$0x3FB8] =	sst s0  }
0x18: {  	s0 =	sld [smem:$0x3F9B];
	_ =	swait.ge [sflag:s4], $0x0  }
0x19: {  	s7 =	sld [smem:$0x3F9C]  }
0x1a: {  	s8 =	sadd.s32 $0xFFFFE003, lr  }
0x1b: {  	s9 =	sadd.s32 $0xFFFFFEF7, lr;
	s5 =	simm.s32 $0xFFFFFFFF;
	p2 =	slt.u32 s8, $0xFFFFF086  }
0x1c: {  	p1 =	slt.u32 s9, $0xF7A;
	s5 =	simm.s32 @!p2 $0x0  }
0x1d: {  	s5 =	simm.s32 @p1 $0x1;
	p0 =	seq.s32 s7, s2  }
0x1e: {  	s7 =	smul.u32 @!p0 $0xF7A, s2;
	p2 =	seq.s32 @!p0 s5, $0x0  }
0x1f: {  	s9 =	smul.u32 $0xF7A, s1;
	s8 =	simm.s32 @!p0 $0x1BF5;
	p2 =	por !p2, p0  }
0x20: {  	[sflag:s8] =	ssyncset.s32 @!p0 $0xFFFFF086;
	s6 =	sadd.s32 @!p0 s3, s7;
	s7 =	simm.s32 @!p0 $0x108  }
0x21: {  	s3 =	sadd.s32 s3, s9;
	s6 =	sadd.s32 @!p0 $0x88, s6;
	s7 =	simm.s32 @p2 $0x1082  }
0x22: {  	[simem:s7], [sflag:s8] =	dma.local @!p0 [hbm:s6], $0xF7A  }
0x23: {  	s9 =	sor.u32 $0xD0000000, s2;
	s6 =	simm.s32 $0x108;
	_ =	swait.ge @!p0 [sflag:s8], $0x0  }
0x24: {  	s3 =	sadd.s32 $0x88, s3;
	s6 =	simm.s32 @!p1 $0x1082;
	[sflag:s4] =	ssyncset.s32 $0xFFFFF086  }
0x25: {  	[simem:s6], [sflag:s4] =	dma.local [hbm:s3], $0xF7A  }
0x26: {  	[smem:$0x3F9C] =	sst s1;
	(tag) =	ssettag s2;
	_ =	strace s9  }
0x27: {  	s1 =	sld [smem:$0x3FAC]  }
0x28: {  	s2 =	sld [smem:$0x3FAD]  }
0x29: {  	s4 =	sld [smem:$0x3FAF]  }
0x2a: {  	p0 =	seq.s32 s5, $0x0;
	s5 =	sld [smem:$0x3FB0]  }
0x2b: {  	s6 =	sld [smem:$0x3FB1]  }
0x2c: {  	s7 =	sld [smem:$0x3FB2]  }
0x2d: {  	s3 =	simm.s32 $0x108;
	s8 =	sld [smem:$0x3FB3]  }
0x2e: {  	s3 =	simm.s32 @!p0 $0x1082;
	s9 =	sld [smem:$0x3FB4]  }
0x2f: {  	lr =	sadd.s32 s0, s3;
	s0 =	sld [smem:$0x3FAB]  }
0x30: {  	s3 =	sld [smem:$0x3FAE]  }
0x31: {  	[smem:$0x3FB7] =	sst s10  }
0x32: {  	s10 =	sld [smem:$0x3FB5];
	_ =	sdelay $0x3  }
0x33: {  	p0 =	seq.s32 s10, $0x1;
	s10 =	sld [smem:$0x3FB7];
	_ =	sdelay $0x3  }
0x34: {  	[smem:$0x3FB7] =	sst s10  }
0x35: {  	s10 =	sld [smem:$0x3FB6];
	_ =	sdelay $0x3  }
0x36: {  	p1 =	seq.s32 s10, $0x1;
	s10 =	sld [smem:$0x3FB7];
	_ =	sdelay $0x3  }
0x37: {  	[smem:$0x3FB7] =	sst s10  }
0x38: {  	s10 =	sld [smem:$0x3FB8]  }
0x39: {  	_ = 	snop;
	(pc) =	sbr.ind lr, $3  }
0x3a: {  	_ = 	snop  }
0x3b: {  	_ = 	snop  }
0x3c: {  	p2 =	seq.s32 s10, $0x1;
	s10 =	sld [smem:$0x3FB7]  }
0x3d: {  	_ =	shalt  }
0x3e: {  	_ =	shalt  }
0x3f: {  	_ =	shalt  }
0x40: {  	_ =	shalt  }
0x41: {  	_ =	shalt  }
0x42: {  	_ =	shalt  }
0x43: {  	_ =	shalt  }
0x44: {  	_ =	shalt  }
0x45: {  	_ =	shalt  }
0x46: {  	_ =	shalt  }
0x47: {  	_ =	shalt  }
0x48: {  	_ =	shalt  }
0x49: {  	_ =	shalt  }
0x4a: {  	_ =	shalt  }
0x4b: {  	_ =	shalt  }
0x4c: {  	_ =	shalt  }
0x4d: {  	_ =	shalt  }
0x4e: {  	_ =	shalt  }
0x4f: {  	_ =	shalt  }
0x50: {  	_ =	shalt  }
0x51: {  	_ =	shalt  }
0x52: {  	_ =	shalt  }
0x53: {  	_ =	shalt  }
0x54: {  	_ =	shalt  }
0x55: {  	_ =	shalt  }
0x56: {  	_ =	shalt  }
0x57: {  	_ =	shalt  }
0x58: {  	_ =	shalt  }
0x59: {  	_ =	shalt  }
0x5a: {  	_ =	shalt  }
0x5b: {  	_ =	shalt  }
0x5c: {  	_ =	shalt  }
0x5d: {  	_ =	shalt  }
0x5e: {  	_ =	shalt  }
0x5f: {  	_ =	shalt  }
0x60: {  	_ =	shalt  }
0x61: {  	_ =	shalt  }
0x62: {  	_ =	shalt  }
0x63: {  	_ =	shalt  }
0x64: {  	_ =	shalt  }
0x65: {  	_ =	shalt  }
0x66: {  	_ =	shalt  }
0x67: {  	_ =	shalt  }
0x68: {  	_ =	shalt  }
0x69: {  	_ =	shalt  }
0x6a: {  	_ =	shalt  }
0x6b: {  	_ =	shalt  }
0x6c: {  	_ =	shalt  }
0x6d: {  	_ =	shalt  }
0x6e: {  	_ =	shalt  }
0x6f: {  	_ =	shalt  }
0x70: {  	_ =	shalt  }
0x71: {  	_ =	shalt  }
0x72: {  	_ =	shalt  }
0x73: {  	_ =	shalt  }
0x74: {  	_ =	shalt  }
0x75: {  	_ =	shalt  }
0x76: {  	_ =	shalt  }
0x77: {  	_ =	shalt  }
0x78: {  	_ =	shalt  }
0x79: {  	_ =	shalt  }
0x7a: {  	_ =	shalt  }
0x7b: {  	_ =	shalt  }
0x7c: {  	_ =	shalt  }
0x7d: {  	_ =	shalt  }
0x7e: {  	_ =	shalt  }
0x7f: {  	_ =	shalt  }
0x80: {  	_ =	shalt  }
0x81: {  	_ =	shalt  }
0x82: {  	_ =	shalt  }
0x83: {  	_ =	shalt  }
0x84: {  	_ =	shalt  }
0x85: {  	_ =	shalt  }
0x86: {  	_ =	shalt  }
0x87: {  	_ =	shalt  }
.Lfunc_end0:
.L_simem_size_0:
called_computation_lowered:
.L_overlay_start_0:
0x88: {  	s0 =	sld [smem:$0x3FD9]  }
0x89: {  	s1 =	sld [smem:$0x3FFE];
	_ =	sdelay $0x3  }
0x8a: {  	s0 =	sadd.s32 s1, s0  }
0x8b: {  	[smem:$0x3FC3] =	sst s0  }
0x8c: {  	_ = 	snop  }
0x8d: {  	s0 =	sld [smem:$0x3FD0];
	_ =	sdelay $0x2  }
0x8e: {  	s13 =	simm.s32 $0xA;
	s2 =	simm.s32 $0x10  }
0x8f: {  	[smem:s2], [sflag:s13] =	dma.local [hbm:s0], $0x1  }
0x90: {  	_ =	swait.eq [sflag:s13], $0x1  }
0x91: {  	[sflag:s13] =	ssyncset.done $0x0  }
0x92: {  	[sflag:s13] =	ssyncadd.s32 $0xFFFFFFFF  }
0x93: {  	s14 =	sld [smem:$0x11];
	(tm) =	ssettm $0x1  }
0x94: {  	s15 =	sld [smem:$0x3FFB];
	_ =	sdelay $0x3  }
0x95: {  	_ =	strace s15  }
0x96: {  	s1 =	sld [smem:$0x3FFC];
	_ =	sdelay $0x3  }
0x97: {  	_ =	strace s1  }
0x98: {  	s1 =	sld [smem:$0x3FFD];
	_ =	sdelay $0x3  }
0x99: {  	_ =	strace s1  }
0x9a: {  	_ =	strace $0x8FFFFFFF  }
0x9b: {  	s16 =	sld [smem:$0x3FDB];
	_ =	sdelay $0x1  }
0x9c: {  	s17 =	simm.s32 $_scs_section_size  }
0x9d: {  	s3 =	simm.s32 $_size__tile_overlayer_lowered;
	s4 =	simm.s32 $_tile_overlayer_lowered  }
0x9e: {  	s20 =	simm.s32 $0x1BFF;
	s19 =	sshll.u32 s4, $0x1;
	s1 =	sadd.s32 s17, s16  }
0x9f: {  	s5 =	simm.s32 $0x0;
	s18 =	sshll.u32 s3, $0x1;
	s3 =	sadd.s32 s19, s1  }
0xa0: {  	[timem:s5], [sflag:s20] =	dma.local [hbm:s3], s18  }
0xa1: {  	_ =	swait.ge [sflag:s20], s18  }
0xa2: {  	s2 =	ssub.s32 $0x0, s18;
	[sflag:s20] =	ssyncset.done $0x0  }
0xa3: {  	[sflag:s20] =	ssyncadd.s32 s2;
	_ =	sdelay $0x1  }
0xa4: {  	s21 =	simm.s32 $0x1B8B  }
0xa5: {  	_ =	swait.ge [sflag:s21], $0x1  }
0xa6: {  	[sflag:s21] =	ssyncset.done $0x0  }
0xa7: {  	s23 =	simm.s32 $0x1B8E;
	s22 =	sld [smem:$0x3FFE];
	[sflag:s21] =	ssyncadd.s32 $0xFFFFFFFF  }
0xa8: {  	s24 =	simm.s32 $execute0_lowered;
	[smem:$0x3FD2] =	sst s23  }
0xa9: {  	s3 =	sshll.u32 s24, $0x1;
	_ =	strace $0x80000046;
	[dreg:$0x1] =	wrdreg $0xFFFFFFFF  }
0xaa: {  	s25 =	simm.s32 $_size_execute0_lowered;
	s1 =	sadd.s32 s1, s3;
	[dreg:$0x0] =	wrdreg $0x0  }
0xab: {  	s3 =	sshll.u32 s25, $0x1;
	[dreg:$0x2] =	wrdreg s1  }
0xac: {  	[dreg:$0x3] =	wrdreg s3  }
0xad: {  	[dreg:$0x4] =	wrdreg $0xC0  }
0xae: {  	_ =	task [dreg:s5], $0x5FFFF  }
0xaf: {  	[dreg:$0x1] =	wrdreg $0xFFFFFFFF  }
0xb0: {  	[dreg:$0x0] =	wrdreg $0x60  }
0xb1: {  	[dreg:$0x2] =	wrdreg s22  }
0xb2: {  	[dreg:$0x3] =	wrdreg s14  }
0xb3: {  	[dreg:$0x4] =	wrdreg $0x9  }
0xb4: {  	_ =	task.clear_ibuf [dreg:s5], $0x5FFFF;
	_ =	strace $0x90000046  }
0xb5: {  	s26 =	simm.s32 $0x9;
	_ =	strace $0x80000048  }
0xb6: {  	_ =	swait.ge [sflag:s26], $0x1  }
0xb7: {  	[sflag:s26] =	ssyncadd.s32 $0xFFFFFFFF  }
0xb8: {  	_ =	strace $0x90000048  }
0xb9: {  	_ =	sfence  }
0xba: {  	s28 =	sld [smem:$0x0];
	_ =	sdelay $0x1  }
0xbb: {  	s29 =	srdreg.scid  }
0xbc: {  	s30 =	sshll.u32 s29, $0xD;
	s31 =	sshrl.u32 s29, $0x2  }
0xbd: {  	s2 =	sand.u32 $0x4000, s30;
	s1 =	sand.u32 $0x1, s29;
	s0 =	sadd.s32 s31, s28  }
0xbe: {  	s1 =	sor.u32 s2, s1;
	s0 =	sshll.u32 s0, $0x11  }
0xbf: {  	s0 =	sor.u32 s0, s1  }
0xc0: {  	s0 =	sadd.s32 $0x8F2B, s0  }
0xc1: {  	[sflag:s0] =	ssyncadd.remote.s32 $0x1  }
0xc2: {  	_ =	sfence.sel $0xFFFF  }
0xc3: {  	[dreg:$0x0] =	wrdreg $0xFFFFFFFF;
	(pc) =	sbr.abs _section_cstart, $3  }
0xc4: {  	[dreg:$0x1] =	wrdreg $0xFFFFFFFF  }
0xc5: {  	_ =	task.clear_ibuf [dreg:s5], $0x2FFFF;
	_ =	strace $0x9FFFFFFF  }
0xc6: {  	(tm) =	ssettm $0x7FFFFFFF  }
0xc7: {  	_ =	shalt  }
tec
execute0_lowered:
.L_overlay_start_1:
0x0: {  	(tag) =	ssettag $0x1  }
0x1: {  	s0 =	rddreg [dreg:$0x0]  }
0x2: {  	s1 =	rddreg [dreg:$0x1]  }
0x3: {  	s2 =	rddreg [dreg:$0x2];
	s3 =	simm.s32 $0x0;
	s4 =	stileid.u32  }
0x4: {  	[smem:$0x7FF] =	sst s3;
	s5 =	sshll.u32 s4, $0x1  }
0x5: {  	s23 =	simm.s32 $0x2;
	_ =	strace $0x80000047;
	s1 =	sadd.s32 s1, s5  }
0x6: {  	[tilespmem:s3], [sflag:$0x2] =	stream.linear.gather [hbm4b:s1+s3], $0x10, $0x38;
	[tilespmem:$0x3080] =	vst v63  }
0x7: {  	_ =	swait.ge [sflag:s23], $0x10  }
0x8: {  	[sflag:s23] =	ssyncset.done $0x0  }
0x9: {  	[sflag:s23] =	ssyncadd.s32 $0xFFFFFFF0  }
0xa: {  	v0 =	vld [tilespmem:$0x0];
	_ =	sdelay $0x4  }
0xb: {  	v1 =	vshrl.u32 v0, $0x3  }
0xc: {  	v1 =	vmul.u32 $0x30, v1  }
0xd: {  	v2 =	vlaneseq.u32;
	v0 =	vand.u32 $0x7, v0  }
0xe: {  	v63 =	vand.u32 $0x7, v2;
	v3 =	vshrl.u32 v2, $0x3;
	v0 =	vor.u32 v0, v1  }
0xf: {  	v3 =	vmul.u32 $0x8, v3;
	v1 =	vperm.xlane v0, v63;
	_ =	sdelay $0x1  }
0x10: {  	v1 =	vadd.s32 v3, v1;
	_ =	sdelay $0x2  }
0x11: {  	v2 =	vor.u32 $0x8, v2  }
0x12: {  	vm0 =	vmmov $0xffff;
	s6 =	simm.s32 $0x80;
	s24 =	sadd.s32 $0xE00, s0;
	v0 =	vperm.xlane v0, v2  }
0x13: {  	[tilespmem:s6], [sflag:$0x1] =	stream.indirect_vreg.gather [hbm4b:s24+s3], $0x80, v1, vm0, $0xb8;
	[tilespmem:$0x3080] =	vst v63  }
0x14: {  	s8 =	simm.s32 $0x880;
	s7 =	sadd.s32 $0xF00, s0;
	v0 =	vadd.s32 v3, v0  }
0x15: {  	[tilespmem:s8], [sflag:$0x1] =	stream.indirect_vreg.gather [hbm4b:s7+s3], $0x80, v1, vm0, $0xb8;
	[tilespmem:$0x3080] =	vst v63  }
0x16: {  	s9 =	simm.s32 $0x1080;
	s25 =	sadd.s32 $0x1000, s0  }
0x17: {  	[tilespmem:s9], [sflag:$0x1] =	stream.indirect_vreg.gather [hbm4b:s25+s3], $0x80, v1, vm0, $0xb8;
	[tilespmem:$0x3080] =	vst v63  }
0x18: {  	s26 =	simm.s32 $0x1880  }
0x19: {  	[tilespmem:s26], [sflag:$0x1] =	stream.indirect_vreg.gather [hbm4b:s24+s3], $0x80, v0, vm0, $0xb8;
	[tilespmem:$0x3080] =	vst v63  }
0x1a: {  	s28 =	simm.s32 $0x2080  }
0x1b: {  	[tilespmem:s28], [sflag:$0x1] =	stream.indirect_vreg.gather [hbm4b:s7+s3], $0x80, v0, vm0, $0xb8;
	[tilespmem:$0x3080] =	vst v63  }
0x1c: {  	s29 =	simm.s32 $0x2880;
	s31 =	simm.s32 $0x1;
	s30 =	smul.u32 $0x600, s4  }
0x1d: {  	[tilespmem:s29], [sflag:$0x1] =	stream.indirect_vreg.gather [hbm4b:s25+s3], $0x80, v0, vm0, $0xb8;
	[tilespmem:$0x3080] =	vst v63  }
0x1e: {  	_ =	swait.ge [sflag:s31], $0x3000  }
0x1f: {  	s0 =	sadd.s32 s30, s0;
	[sflag:s31] =	ssyncset.done $0x0  }
0x20: {  	s0 =	sadd.s32 $0x61200, s0;
	[sflag:s31] =	ssyncadd.s32 $0xFFFFD000  }
0x21: {  	[hbm4b:s0+s3] =	stream.linear.scatter [tilespmem:s6], [sflag:$0x2], $0x3000, $0x38;
	[tilespmem:$0x3080] =	vst v63  }
0x22: {  	_ =	swait.ge [sflag:s23], $0x3000  }
0x23: {  	[sflag:s23] =	ssyncset.done $0x0  }
0x24: {  	[sflag:s23] =	ssyncadd.s32 $0xFFFFD000  }
0x25: {  	_ =	sfence.sel $0x180000  }
0x26: {  	[bflag:$0x0] =	sbarrier.arrive $0xFFFF  }
0x27: {  	p0 =	sne.s32 s4, $0x0;
	_ =	strace $0x90000047  }
0x28: {  	s0 =	sadd.s32 @!p0 $0x100000, s2;
	[bflag:$0x2] =	sbarrier.arrive $0xFFFF  }
0x29: {  	[sflag:s0] =	ssyncadd.tile.s32 @!p0 $0x1;
	_ =	shalt  }
.Lfunc_end2:
_tile_overlayer_lowered:
.L_overlay_start_2:
0x2a: {  	(tag) =	ssettag $0x2  }
0x2b: {  	s0 =	rddreg [dreg:$0x0];
	s2 =	stileid.u32  }
0x2c: {  	s1 =	rddreg [dreg:$0x1];
	p0 =	sne.s32 s2, $0x0  }
0x2d: {  	s3 =	rddreg [dreg:$0x2];
	[bflag:$0x3] =	sbarrier.arrive $0xFFFF;
	s2 =	simm.s32 @!p0 $0x1C02  }
0x2e: {  	[timem:s3], [sflag:s2] =	dma.local @!p0 [hbm:s0], s1  }
0x2f: {  	s0 =	simm.s32 @!p0 $0x2  }
0x30: {  	_ =	swait.ge @!p0 [sflag:s0], s1  }
0x31: {  	s1 =	ssub.s32 @!p0 $0x0, s1;
	[sflag:s0] =	ssyncset.done @!p0 $0x0  }
0x32: {  	[sflag:s0] =	ssyncadd.s32 @!p0 s1  }
0x33: {  	[bflag:$0x3] =	sbarrier.arrive $0xFFFF  }
0x34: {  	_ =	shalt  }

</sc_bundles>
